<compile_context>
chip_gen: v7x
topology: tpu7x:2x2x1
jax: 0.10.2.dev20260603
libtpu: 0.0.44.dev20260713+nightly
codegen_flags: <defaults>
</compile_context>

<pallas_src>
import functools

import jax
import jax.numpy as jnp
from jax import lax
from jax.experimental import pallas as pl
from jax.experimental.pallas import tpu as pltpu
from jax.experimental.pallas import tpu_sc as plsc

B, L, EMB, HID, TAGS = 4096, 200, 64, 256, 5
NC, NS = 2, 16
NW = NC * NS
EX_PER_W = B // NW
TOK_PER_W = EX_PER_W * L
CHUNK = 128
NCHUNK = TOK_PER_W // CHUNK
NBUF = 8


def _sc_pooled_sums(x3, seg3, emb_table):
    mesh = plsc.VectorSubcoreMesh(core_axis_name="c", subcore_axis_name="s")

    @functools.partial(
        pl.kernel,
        out_type=jax.ShapeDtypeStruct((B, EMB), jnp.float32),
        mesh=mesh,
        scratch_types=[
            pltpu.VMEM((NCHUNK, CHUNK), jnp.int32),
            pltpu.VMEM((NCHUNK, CHUNK), jnp.int32),
            *([pltpu.VMEM((CHUNK, EMB), jnp.float32)] * NBUF),
            pltpu.VMEM_SHARED((NS * EX_PER_W, EMB), jnp.float32),
            *([pltpu.SemaphoreType.DMA] * (2 * NBUF)),
        ],
        compiler_params=pltpu.CompilerParams(use_tc_tiling_on_sc=False),
    )
    def k(x_hbm, seg_hbm, table_hbm, out_hbm, x_v, seg_v, *rest):
        bufs = rest[:NBUF]
        acc_sh = rest[NBUF]
        gsem = rest[NBUF + 1:NBUF + 1 + NBUF]
        ssem = rest[NBUF + 1 + NBUF:]

        sid = lax.axis_index("s")
        w = sid * NC + lax.axis_index("c")
        pltpu.sync_copy(x_hbm.at[w], x_v)
        pltpu.sync_copy(seg_hbm.at[sid], seg_v)

        zeros = jnp.zeros((16,), jnp.float32)

        @pl.loop(0, CHUNK)
        def _(r):
            @pl.loop(0, EMB, step=16)
            def _(j):
                bufs[0].at[r, pl.ds(j, 16)][...] = zeros

        pltpu.sync_copy(bufs[0], acc_sh.at[pl.ds(sid * EX_PER_W, EX_PER_W)])

        for b in range(NBUF):
            pltpu.async_copy(table_hbm.at[x_v.at[b]], bufs[b], gsem[b])

        @pl.loop(0, NCHUNK, step=NBUF)
        def _(c0):
            scatters = []
            for b in range(NBUF):
                pltpu.make_async_copy(
                    table_hbm.at[x_v.at[0]], bufs[b], gsem[b]).wait()
                scatters.append(pltpu.async_copy(
                    bufs[b], acc_sh.at[seg_v.at[c0 + b]], ssem[b], add=True))
            for b in range(NBUF):
                scatters[b].wait()

                @pl.when(c0 + NBUF + b < NCHUNK)
                def _():
                    pltpu.async_copy(
                        table_hbm.at[x_v.at[c0 + NBUF + b]], bufs[b], gsem[b])

        pltpu.sync_copy(acc_sh.at[pl.ds(sid * EX_PER_W, EX_PER_W)],
                        out_hbm.at[pl.ds(w * EX_PER_W, EX_PER_W)])

    return k(x3, seg3, emb_table)


def _tc_head(sums, x, W1, b1, W2, b2, Wo_p, bo_p):
    blk = 512
    grid = (B // blk,)

    def body(sums_ref, x_ref, w1_ref, b1_ref, w2_ref, b2_ref, wo_ref, bo_ref,
             out_ref):
        cnt = jnp.sum((x_ref[...] != 0).astype(jnp.float32), axis=1,
                      keepdims=True)
        pooled = sums_ref[...] / jnp.maximum(cnt, 1.0)
        h = jnp.dot(pooled, w1_ref[...], preferred_element_type=jnp.float32,
                    precision=lax.Precision.HIGHEST) + b1_ref[...]
        h = jnp.maximum(h, 0.0)
        h = jnp.dot(h, w2_ref[...], preferred_element_type=jnp.float32,
                    precision=lax.Precision.HIGHEST) + b2_ref[...]
        h = jnp.maximum(h, 0.0)
        out_ref[...] = jnp.dot(h, wo_ref[...],
                               preferred_element_type=jnp.float32,
                               precision=lax.Precision.HIGHEST) + bo_ref[...]

    return pl.pallas_call(
        body,
        grid=grid,
        in_specs=[
            pl.BlockSpec((blk, EMB), lambda i: (i, 0)),
            pl.BlockSpec((blk, L), lambda i: (i, 0)),
            pl.BlockSpec((EMB, HID), lambda i: (0, 0)),
            pl.BlockSpec((1, HID), lambda i: (0, 0)),
            pl.BlockSpec((HID, HID), lambda i: (0, 0)),
            pl.BlockSpec((1, HID), lambda i: (0, 0)),
            pl.BlockSpec((HID, 128), lambda i: (0, 0)),
            pl.BlockSpec((1, 128), lambda i: (0, 0)),
        ],
        out_specs=pl.BlockSpec((blk, 128), lambda i: (i, 0)),
        out_shape=jax.ShapeDtypeStruct((B, 128), jnp.float32),
    )(sums, x, W1, b1, W2, b2, Wo_p, bo_p)


def kernel(x, emb_table, W1, b1, W2, b2, Wout, bout):
    x = x.astype(jnp.int32)
    x3 = x.reshape(NW, NCHUNK, CHUNK)
    seg2 = (jnp.arange(TOK_PER_W, dtype=jnp.int32) // L).reshape(NCHUNK, CHUNK)
    seg3 = seg2[None, :, :] + (
        jnp.arange(NS, dtype=jnp.int32) * EX_PER_W)[:, None, None]

    sums = _sc_pooled_sums(x3, seg3, emb_table)

    Wo_p = jnp.zeros((HID, 128), jnp.float32).at[:, :TAGS].set(Wout)
    bo_p = jnp.zeros((1, 128), jnp.float32).at[:, :TAGS].set(bout[None, :])
    scores_p = _tc_head(sums, x, W1, b1[None, :], W2, b2[None, :], Wo_p, bo_p)
    return scores_p[:, :TAGS]

# --- scband reference (transcript-rebuilt; emitter-appended) ---
"""Pipeline reference for scband-dan-model-42588895707443 (READ-ONLY COPY).

The authoritative reference and input builder live on the scoring server;
editing this copy changes nothing except your own understanding.
"""

import jax, jax.numpy as jnp
import numpy as np

VOCAB = 1000000
EMB = 64
HID = 256
TAGS = 5
PAD_ID = 0


def setup_inputs(seed: int = 0) -> dict:
    key = jax.random.key(seed)
    ks = jax.random.split(key, 9)
    scale = 0.08
    x = jax.random.randint(ks[0], (4096, 200), 0, VOCAB, dtype=jnp.int64 if jax.config.jax_enable_x64 else jnp.int32)
    emb_table = jax.random.uniform(ks[1], (VOCAB, EMB), minval=-scale, maxval=scale, dtype=jnp.float32)
    emb_table = emb_table.at[PAD_ID].set(0.0)
    W1 = jax.random.uniform(ks[2], (EMB, HID), minval=-scale, maxval=scale, dtype=jnp.float32)
    b1 = jax.random.uniform(ks[3], (HID,), minval=-scale, maxval=scale, dtype=jnp.float32)
    W2 = jax.random.uniform(ks[4], (HID, HID), minval=-scale, maxval=scale, dtype=jnp.float32)
    b2 = jax.random.uniform(ks[5], (HID,), minval=-scale, maxval=scale, dtype=jnp.float32)
    Wout = jax.random.uniform(ks[6], (HID, TAGS), minval=-scale, maxval=scale, dtype=jnp.float32)
    bout = jax.random.uniform(ks[7], (TAGS,), minval=-scale, maxval=scale, dtype=jnp.float32)
    return {"x": x, "emb_table": emb_table, "W1": W1, "b1": b1, "W2": W2, "b2": b2, "Wout": Wout, "bout": bout}


def reference(x, emb_table, W1, b1, W2, b2, Wout, bout):
    # embedding lookup (gather)
    emb = jnp.take(emb_table, x, axis=0)  # [B, L, EMB]
    # eval mode: no word dropout, keep_mask = valid_mask = (x != pad_id)
    keep_mask = (x != PAD_ID)
    emb = emb * keep_mask[..., None].astype(emb.dtype)
    # pooling_method == 'mean' (the else branch)
    denom = jnp.clip(keep_mask.sum(axis=1, keepdims=True), 1, None).astype(emb.dtype)
    pooled = emb.sum(axis=1) / denom  # [B, EMB]
    # feedforward layers with ReLU (dropout is identity in eval)
    h = jax.nn.relu(pooled @ W1 + b1)
    h = jax.nn.relu(h @ W2 + b2)
    scores = h @ Wout + bout  # [B, TAGS]
    return scores

if __name__ == "__main__":
    import jax
    _d = setup_inputs()
    print(jax.jit(kernel)(*tuple(_d.values())))

</pallas_src>

<mosaic_0001>
#map = affine_map<(d0, d1) -> (0, 0, 0)>
#map1 = affine_map<(d0, d1) -> (0, 0)>
module attributes {stable_mosaic.version = 14 : i64} {
  func.func @k(%arg0: i32, %arg1: i32, %arg2: memref<32x200x128xi32, #tpu.memory_space<hbm>>, %arg3: memref<16x200x128xi32, #tpu.memory_space<hbm>>, %arg4: memref<1000000x64xf32, #tpu.memory_space<hbm>>, %arg5: memref<4096x64xf32, #tpu.memory_space<hbm>>, %arg6: memref<200x128xi32, #tpu.memory_space<vmem>>, %arg7: memref<200x128xi32, #tpu.memory_space<vmem>>, %arg8: memref<128x64xf32, #tpu.memory_space<vmem>>, %arg9: memref<128x64xf32, #tpu.memory_space<vmem>>, %arg10: memref<128x64xf32, #tpu.memory_space<vmem>>, %arg11: memref<128x64xf32, #tpu.memory_space<vmem>>, %arg12: memref<128x64xf32, #tpu.memory_space<vmem>>, %arg13: memref<128x64xf32, #tpu.memory_space<vmem>>, %arg14: memref<128x64xf32, #tpu.memory_space<vmem>>, %arg15: memref<128x64xf32, #tpu.memory_space<vmem>>, %arg16: memref<2048x64xf32, #tpu.memory_space<vmem_shared>>, %arg17: memref<!tpu.dma_semaphore, #tpu.memory_space<semaphore_mem>>, %arg18: memref<!tpu.dma_semaphore, #tpu.memory_space<semaphore_mem>>, %arg19: memref<!tpu.dma_semaphore, #tpu.memory_space<semaphore_mem>>, %arg20: memref<!tpu.dma_semaphore, #tpu.memory_space<semaphore_mem>>, %arg21: memref<!tpu.dma_semaphore, #tpu.memory_space<semaphore_mem>>, %arg22: memref<!tpu.dma_semaphore, #tpu.memory_space<semaphore_mem>>, %arg23: memref<!tpu.dma_semaphore, #tpu.memory_space<semaphore_mem>>, %arg24: memref<!tpu.dma_semaphore, #tpu.memory_space<semaphore_mem>>, %arg25: memref<!tpu.dma_semaphore, #tpu.memory_space<semaphore_mem>>, %arg26: memref<!tpu.dma_semaphore, #tpu.memory_space<semaphore_mem>>, %arg27: memref<!tpu.dma_semaphore, #tpu.memory_space<semaphore_mem>>, %arg28: memref<!tpu.dma_semaphore, #tpu.memory_space<semaphore_mem>>, %arg29: memref<!tpu.dma_semaphore, #tpu.memory_space<semaphore_mem>>, %arg30: memref<!tpu.dma_semaphore, #tpu.memory_space<semaphore_mem>>, %arg31: memref<!tpu.dma_semaphore, #tpu.memory_space<semaphore_mem>>, %arg32: memref<!tpu.dma_semaphore, #tpu.memory_space<semaphore_mem>>) attributes {dimension_semantics = [#tpu.dimension_semantics<core_parallel>, #tpu.dimension_semantics<subcore_parallel>], iteration_bounds = array<i64: 2, 16>, scalar_prefetch = 0 : i64, scratch_operands = 27 : i64, tpu.core_type = #tpu.core_type<sc_vector_subcore>, window_params = [{transform_indices = #map}, {transform_indices = #map}, {transform_indices = #map1}, {transform_indices = #map1}]} {
    %mul3A = arith.constant 2 : i32
    %mul3A_0 = arith.muli %arg1, %mul3A : i32
    %add3A = arith.addi %mul3A_0, %arg0 : i32
    "tpu.region"() ({
      %run_scoped3A = tpu.sem_alloc : memref<!tpu.dma_semaphore, #tpu.memory_space<semaphore_mem>>
      %dma_start3A_72 = arith.constant 0 : i32
      %dma_start3A_73 = arith.constant 0 : i32
      %dma_start3A_74 = tpu.memref_slice %arg2[%add3A, %dma_start3A_72, %dma_start3A_73] : memref<32x200x128xi32, #tpu.memory_space<hbm>> -> memref<1x200x128xi32, #tpu.memory_space<hbm>>
      %dma_start3A_75 = tpu.memref_squeeze %dma_start3A_74 : memref<1x200x128xi32, #tpu.memory_space<hbm>> -> memref<200x128xi32, #tpu.memory_space<hbm>>
      %dma_start3A_76 = arith.constant 0 : i32
      %dma_start3A_77 = arith.constant 0 : i32
      %dma_start3A_78 = tpu.memref_slice %arg2[%add3A, %dma_start3A_76, %dma_start3A_77] : memref<32x200x128xi32, #tpu.memory_space<hbm>> -> memref<1x200x128xi32, #tpu.memory_space<hbm>>
      %dma_start3A_79 = tpu.memref_squeeze %dma_start3A_78 : memref<1x200x128xi32, #tpu.memory_space<hbm>> -> memref<200x128xi32, #tpu.memory_space<hbm>>
      tpu.enqueue_dma source(%dma_start3A_79 : memref<200x128xi32, #tpu.memory_space<hbm>>) target(%arg6 : memref<200x128xi32, #tpu.memory_space<vmem>>) target_semaphore(%run_scoped3A : memref<!tpu.dma_semaphore, #tpu.memory_space<semaphore_mem>>)
      %dma_wait3A = arith.constant 0 : i32
      %dma_wait3A_80 = arith.constant 0 : i32
      %dma_wait3A_81 = tpu.memref_slice %arg2[%add3A, %dma_wait3A, %dma_wait3A_80] : memref<32x200x128xi32, #tpu.memory_space<hbm>> -> memref<1x200x128xi32, #tpu.memory_space<hbm>>
      %dma_wait3A_82 = tpu.memref_squeeze %dma_wait3A_81 : memref<1x200x128xi32, #tpu.memory_space<hbm>> -> memref<200x128xi32, #tpu.memory_space<hbm>>
      %dma_wait3A_83 = arith.constant 0 : i32
      %dma_wait3A_84 = arith.constant 0 : i32
      %dma_wait3A_85 = tpu.memref_slice %arg2[%add3A, %dma_wait3A_83, %dma_wait3A_84] : memref<32x200x128xi32, #tpu.memory_space<hbm>> -> memref<1x200x128xi32, #tpu.memory_space<hbm>>
      %dma_wait3A_86 = tpu.memref_squeeze %dma_wait3A_85 : memref<1x200x128xi32, #tpu.memory_space<hbm>> -> memref<200x128xi32, #tpu.memory_space<hbm>>
      tpu.wait_dma2 semaphore(%run_scoped3A : memref<!tpu.dma_semaphore, #tpu.memory_space<semaphore_mem>>) src(%dma_wait3A_86 : memref<200x128xi32, #tpu.memory_space<hbm>>) dst(%arg6 : memref<200x128xi32, #tpu.memory_space<vmem>>)
      tpu.yield
    }) : () -> ()
    "tpu.region"() ({
      %run_scoped3A = tpu.sem_alloc : memref<!tpu.dma_semaphore, #tpu.memory_space<semaphore_mem>>
      %dma_start3A_72 = arith.constant 0 : i32
      %dma_start3A_73 = arith.constant 0 : i32
      %dma_start3A_74 = tpu.memref_slice %arg3[%arg1, %dma_start3A_72, %dma_start3A_73] : memref<16x200x128xi32, #tpu.memory_space<hbm>> -> memref<1x200x128xi32, #tpu.memory_space<hbm>>
      %dma_start3A_75 = tpu.memref_squeeze %dma_start3A_74 : memref<1x200x128xi32, #tpu.memory_space<hbm>> -> memref<200x128xi32, #tpu.memory_space<hbm>>
      %dma_start3A_76 = arith.constant 0 : i32
      %dma_start3A_77 = arith.constant 0 : i32
      %dma_start3A_78 = tpu.memref_slice %arg3[%arg1, %dma_start3A_76, %dma_start3A_77] : memref<16x200x128xi32, #tpu.memory_space<hbm>> -> memref<1x200x128xi32, #tpu.memory_space<hbm>>
      %dma_start3A_79 = tpu.memref_squeeze %dma_start3A_78 : memref<1x200x128xi32, #tpu.memory_space<hbm>> -> memref<200x128xi32, #tpu.memory_space<hbm>>
      tpu.enqueue_dma source(%dma_start3A_79 : memref<200x128xi32, #tpu.memory_space<hbm>>) target(%arg7 : memref<200x128xi32, #tpu.memory_space<vmem>>) target_semaphore(%run_scoped3A : memref<!tpu.dma_semaphore, #tpu.memory_space<semaphore_mem>>)
      %dma_wait3A = arith.constant 0 : i32
      %dma_wait3A_80 = arith.constant 0 : i32
      %dma_wait3A_81 = tpu.memref_slice %arg3[%arg1, %dma_wait3A, %dma_wait3A_80] : memref<16x200x128xi32, #tpu.memory_space<hbm>> -> memref<1x200x128xi32, #tpu.memory_space<hbm>>
      %dma_wait3A_82 = tpu.memref_squeeze %dma_wait3A_81 : memref<1x200x128xi32, #tpu.memory_space<hbm>> -> memref<200x128xi32, #tpu.memory_space<hbm>>
      %dma_wait3A_83 = arith.constant 0 : i32
      %dma_wait3A_84 = arith.constant 0 : i32
      %dma_wait3A_85 = tpu.memref_slice %arg3[%arg1, %dma_wait3A_83, %dma_wait3A_84] : memref<16x200x128xi32, #tpu.memory_space<hbm>> -> memref<1x200x128xi32, #tpu.memory_space<hbm>>
      %dma_wait3A_86 = tpu.memref_squeeze %dma_wait3A_85 : memref<1x200x128xi32, #tpu.memory_space<hbm>> -> memref<200x128xi32, #tpu.memory_space<hbm>>
      tpu.wait_dma2 semaphore(%run_scoped3A : memref<!tpu.dma_semaphore, #tpu.memory_space<semaphore_mem>>) src(%dma_wait3A_86 : memref<200x128xi32, #tpu.memory_space<hbm>>) dst(%arg7 : memref<200x128xi32, #tpu.memory_space<vmem>>)
      tpu.yield
    }) : () -> ()
    %broadcast_in_dim3A = arith.constant 0.000000e+00 : f32
    %broadcast_in_dim3A_1 = vector.broadcast %broadcast_in_dim3A : f32 to vector<16xf32>
    %scan3A = arith.constant 0 : i32
    %scan3A_2 = arith.constant 128 : i32
    %scan3A_3 = arith.addi %scan3A, %scan3A_2 : i32
    %scan3A_4 = arith.constant 1 : i32
    scf.for %scan3A_72 = %scan3A to %scan3A_3 step %scan3A_4  : i32 {
      %mul3A_73 = arith.constant 1 : i32
      %mul3A_74 = arith.muli %scan3A_72, %mul3A_73 : i32
      %add3A_75 = arith.constant 0 : i32
      %add3A_76 = arith.addi %add3A_75, %mul3A_74 : i32
      %scan3A_77 = arith.constant 0 : i32
      %scan3A_78 = arith.constant 4 : i32
      %scan3A_79 = arith.addi %scan3A_77, %scan3A_78 : i32
      %scan3A_80 = arith.constant 1 : i32
      scf.for %scan3A_82 = %scan3A_77 to %scan3A_79 step %scan3A_80  : i32 {
        %mul3A_83 = arith.constant 16 : i32
        %mul3A_84 = arith.muli %scan3A_82, %mul3A_83 : i32
        %add3A_85 = arith.constant 0 : i32
        %add3A_86 = arith.addi %add3A_85, %mul3A_84 : i32
        %swap3A = arith.index_cast %add3A_76 : i32 to index
        %swap3A_87 = arith.index_cast %add3A_86 : i32 to index
        %swap3A_88 = tpu.vector_load %arg8[%swap3A, %swap3A_87] {strides = array<i32>} : memref<128x64xf32, #tpu.memory_space<vmem>>, vector<1x16xf32>,
        %swap3A_89 = vector.shape_cast %swap3A_88 : vector<1x16xf32> to vector<16xf32>
        %swap3A_90 = vector.shape_cast %broadcast_in_dim3A_1 : vector<16xf32> to vector<1x16xf32>
        tpu.vector_store %arg8[%swap3A, %swap3A_87], %swap3A_90 {strides = array<i32>} : memref<128x64xf32, #tpu.memory_space<vmem>>, vector<1x16xf32>,
      }
      %scan3A_81 = arith.constant 4 : i32
    }
    %scan3A_5 = arith.constant 128 : i32
    %mul3A_6 = arith.constant 128 : i32
    %mul3A_7 = arith.muli %arg1, %mul3A_6 : i32
    "tpu.region"() ({
      %run_scoped3A = tpu.sem_alloc : memref<!tpu.dma_semaphore, #tpu.memory_space<semaphore_mem>>
      %dma_start3A_72 = arith.constant 0 : i32
      %dma_start3A_73 = tpu.memref_slice %arg16[%mul3A_7, %dma_start3A_72] : memref<2048x64xf32, #tpu.memory_space<vmem_shared>> -> memref<128x64xf32, #tpu.memory_space<vmem_shared>>
      %dma_start3A_74 = arith.constant 0 : i32
      %dma_start3A_75 = tpu.memref_slice %arg16[%mul3A_7, %dma_start3A_74] : memref<2048x64xf32, #tpu.memory_space<vmem_shared>> -> memref<128x64xf32, #tpu.memory_space<vmem_shared>>
      tpu.enqueue_dma source(%arg8 : memref<128x64xf32, #tpu.memory_space<vmem>>) target(%dma_start3A_75 : memref<128x64xf32, #tpu.memory_space<vmem_shared>>) target_semaphore(%run_scoped3A : memref<!tpu.dma_semaphore, #tpu.memory_space<semaphore_mem>>)
      %dma_wait3A = arith.constant 0 : i32
      %dma_wait3A_76 = tpu.memref_slice %arg16[%mul3A_7, %dma_wait3A] : memref<2048x64xf32, #tpu.memory_space<vmem_shared>> -> memref<128x64xf32, #tpu.memory_space<vmem_shared>>
      %dma_wait3A_77 = arith.constant 0 : i32
      %dma_wait3A_78 = tpu.memref_slice %arg16[%mul3A_7, %dma_wait3A_77] : memref<2048x64xf32, #tpu.memory_space<vmem_shared>> -> memref<128x64xf32, #tpu.memory_space<vmem_shared>>
      tpu.wait_dma2 semaphore(%run_scoped3A : memref<!tpu.dma_semaphore, #tpu.memory_space<semaphore_mem>>) src(%arg8 : memref<128x64xf32, #tpu.memory_space<vmem>>) dst(%dma_wait3A_78 : memref<128x64xf32, #tpu.memory_space<vmem_shared>>)
      tpu.yield
    }) : () -> ()
    %dma_start3A = arith.constant 0 : i32
    %dma_start3A_8 = arith.constant 0 : i32
    %dma_start3A_9 = tpu.memref_slice %arg6[%dma_start3A, %dma_start3A_8] : memref<200x128xi32, #tpu.memory_space<vmem>> -> memref<1x128xi32, #tpu.memory_space<vmem>>
    %dma_start3A_10 = tpu.memref_squeeze %dma_start3A_9 : memref<1x128xi32, #tpu.memory_space<vmem>> -> memref<128xi32, #tpu.memory_space<vmem>>
    %dma_start3A_11 = arith.constant 0 : i32
    %dma_start3A_12 = arith.constant 0 : i32
    %dma_start3A_13 = tpu.memref_slice %arg4[%dma_start3A_11, %dma_start3A_12] : memref<1000000x64xf32, #tpu.memory_space<hbm>> -> memref<1000000x64xf32, #tpu.memory_space<hbm>>
    tpu.enqueue_indirect_dma source(%dma_start3A_13 : memref<1000000x64xf32, #tpu.memory_space<hbm>>) target(%arg8 : memref<128x64xf32, #tpu.memory_space<vmem>>) offsets(%dma_start3A_10 : memref<128xi32, #tpu.memory_space<vmem>>) semaphore(%arg17 : memref<!tpu.dma_semaphore, #tpu.memory_space<semaphore_mem>>)
    %dma_start3A_14 = arith.constant 1 : i32
    %dma_start3A_15 = arith.constant 0 : i32
    %dma_start3A_16 = tpu.memref_slice %arg6[%dma_start3A_14, %dma_start3A_15] : memref<200x128xi32, #tpu.memory_space<vmem>> -> memref<1x128xi32, #tpu.memory_space<vmem>>
    %dma_start3A_17 = tpu.memref_squeeze %dma_start3A_16 : memref<1x128xi32, #tpu.memory_space<vmem>> -> memref<128xi32, #tpu.memory_space<vmem>>
    %dma_start3A_18 = arith.constant 0 : i32
    %dma_start3A_19 = arith.constant 0 : i32
    %dma_start3A_20 = tpu.memref_slice %arg4[%dma_start3A_18, %dma_start3A_19] : memref<1000000x64xf32, #tpu.memory_space<hbm>> -> memref<1000000x64xf32, #tpu.memory_space<hbm>>
    tpu.enqueue_indirect_dma source(%dma_start3A_20 : memref<1000000x64xf32, #tpu.memory_space<hbm>>) target(%arg9 : memref<128x64xf32, #tpu.memory_space<vmem>>) offsets(%dma_start3A_17 : memref<128xi32, #tpu.memory_space<vmem>>) semaphore(%arg18 : memref<!tpu.dma_semaphore, #tpu.memory_space<semaphore_mem>>)
    %dma_start3A_21 = arith.constant 2 : i32
    %dma_start3A_22 = arith.constant 0 : i32
    %dma_start3A_23 = tpu.memref_slice %arg6[%dma_start3A_21, %dma_start3A_22] : memref<200x128xi32, #tpu.memory_space<vmem>> -> memref<1x128xi32, #tpu.memory_space<vmem>>
    %dma_start3A_24 = tpu.memref_squeeze %dma_start3A_23 : memref<1x128xi32, #tpu.memory_space<vmem>> -> memref<128xi32, #tpu.memory_space<vmem>>
    %dma_start3A_25 = arith.constant 0 : i32
    %dma_start3A_26 = arith.constant 0 : i32
    %dma_start3A_27 = tpu.memref_slice %arg4[%dma_start3A_25, %dma_start3A_26] : memref<1000000x64xf32, #tpu.memory_space<hbm>> -> memref<1000000x64xf32, #tpu.memory_space<hbm>>
    tpu.enqueue_indirect_dma source(%dma_start3A_27 : memref<1000000x64xf32, #tpu.memory_space<hbm>>) target(%arg10 : memref<128x64xf32, #tpu.memory_space<vmem>>) offsets(%dma_start3A_24 : memref<128xi32, #tpu.memory_space<vmem>>) semaphore(%arg19 : memref<!tpu.dma_semaphore, #tpu.memory_space<semaphore_mem>>)
    %dma_start3A_28 = arith.constant 3 : i32
    %dma_start3A_29 = arith.constant 0 : i32
    %dma_start3A_30 = tpu.memref_slice %arg6[%dma_start3A_28, %dma_start3A_29] : memref<200x128xi32, #tpu.memory_space<vmem>> -> memref<1x128xi32, #tpu.memory_space<vmem>>
    %dma_start3A_31 = tpu.memref_squeeze %dma_start3A_30 : memref<1x128xi32, #tpu.memory_space<vmem>> -> memref<128xi32, #tpu.memory_space<vmem>>
    %dma_start3A_32 = arith.constant 0 : i32
    %dma_start3A_33 = arith.constant 0 : i32
    %dma_start3A_34 = tpu.memref_slice %arg4[%dma_start3A_32, %dma_start3A_33] : memref<1000000x64xf32, #tpu.memory_space<hbm>> -> memref<1000000x64xf32, #tpu.memory_space<hbm>>
    tpu.enqueue_indirect_dma source(%dma_start3A_34 : memref<1000000x64xf32, #tpu.memory_space<hbm>>) target(%arg11 : memref<128x64xf32, #tpu.memory_space<vmem>>) offsets(%dma_start3A_31 : memref<128xi32, #tpu.memory_space<vmem>>) semaphore(%arg20 : memref<!tpu.dma_semaphore, #tpu.memory_space<semaphore_mem>>)
    %dma_start3A_35 = arith.constant 4 : i32
    %dma_start3A_36 = arith.constant 0 : i32
    %dma_start3A_37 = tpu.memref_slice %arg6[%dma_start3A_35, %dma_start3A_36] : memref<200x128xi32, #tpu.memory_space<vmem>> -> memref<1x128xi32, #tpu.memory_space<vmem>>
    %dma_start3A_38 = tpu.memref_squeeze %dma_start3A_37 : memref<1x128xi32, #tpu.memory_space<vmem>> -> memref<128xi32, #tpu.memory_space<vmem>>
    %dma_start3A_39 = arith.constant 0 : i32
    %dma_start3A_40 = arith.constant 0 : i32
    %dma_start3A_41 = tpu.memref_slice %arg4[%dma_start3A_39, %dma_start3A_40] : memref<1000000x64xf32, #tpu.memory_space<hbm>> -> memref<1000000x64xf32, #tpu.memory_space<hbm>>
    tpu.enqueue_indirect_dma source(%dma_start3A_41 : memref<1000000x64xf32, #tpu.memory_space<hbm>>) target(%arg12 : memref<128x64xf32, #tpu.memory_space<vmem>>) offsets(%dma_start3A_38 : memref<128xi32, #tpu.memory_space<vmem>>) semaphore(%arg21 : memref<!tpu.dma_semaphore, #tpu.memory_space<semaphore_mem>>)
    %dma_start3A_42 = arith.constant 5 : i32
    %dma_start3A_43 = arith.constant 0 : i32
    %dma_start3A_44 = tpu.memref_slice %arg6[%dma_start3A_42, %dma_start3A_43] : memref<200x128xi32, #tpu.memory_space<vmem>> -> memref<1x128xi32, #tpu.memory_space<vmem>>
    %dma_start3A_45 = tpu.memref_squeeze %dma_start3A_44 : memref<1x128xi32, #tpu.memory_space<vmem>> -> memref<128xi32, #tpu.memory_space<vmem>>
    %dma_start3A_46 = arith.constant 0 : i32
    %dma_start3A_47 = arith.constant 0 : i32
    %dma_start3A_48 = tpu.memref_slice %arg4[%dma_start3A_46, %dma_start3A_47] : memref<1000000x64xf32, #tpu.memory_space<hbm>> -> memref<1000000x64xf32, #tpu.memory_space<hbm>>
    tpu.enqueue_indirect_dma source(%dma_start3A_48 : memref<1000000x64xf32, #tpu.memory_space<hbm>>) target(%arg13 : memref<128x64xf32, #tpu.memory_space<vmem>>) offsets(%dma_start3A_45 : memref<128xi32, #tpu.memory_space<vmem>>) semaphore(%arg22 : memref<!tpu.dma_semaphore, #tpu.memory_space<semaphore_mem>>)
    %dma_start3A_49 = arith.constant 6 : i32
    %dma_start3A_50 = arith.constant 0 : i32
    %dma_start3A_51 = tpu.memref_slice %arg6[%dma_start3A_49, %dma_start3A_50] : memref<200x128xi32, #tpu.memory_space<vmem>> -> memref<1x128xi32, #tpu.memory_space<vmem>>
    %dma_start3A_52 = tpu.memref_squeeze %dma_start3A_51 : memref<1x128xi32, #tpu.memory_space<vmem>> -> memref<128xi32, #tpu.memory_space<vmem>>
    %dma_start3A_53 = arith.constant 0 : i32
    %dma_start3A_54 = arith.constant 0 : i32
    %dma_start3A_55 = tpu.memref_slice %arg4[%dma_start3A_53, %dma_start3A_54] : memref<1000000x64xf32, #tpu.memory_space<hbm>> -> memref<1000000x64xf32, #tpu.memory_space<hbm>>
    tpu.enqueue_indirect_dma source(%dma_start3A_55 : memref<1000000x64xf32, #tpu.memory_space<hbm>>) target(%arg14 : memref<128x64xf32, #tpu.memory_space<vmem>>) offsets(%dma_start3A_52 : memref<128xi32, #tpu.memory_space<vmem>>) semaphore(%arg23 : memref<!tpu.dma_semaphore, #tpu.memory_space<semaphore_mem>>)
    %dma_start3A_56 = arith.constant 7 : i32
    %dma_start3A_57 = arith.constant 0 : i32
    %dma_start3A_58 = tpu.memref_slice %arg6[%dma_start3A_56, %dma_start3A_57] : memref<200x128xi32, #tpu.memory_space<vmem>> -> memref<1x128xi32, #tpu.memory_space<vmem>>
    %dma_start3A_59 = tpu.memref_squeeze %dma_start3A_58 : memref<1x128xi32, #tpu.memory_space<vmem>> -> memref<128xi32, #tpu.memory_space<vmem>>
    %dma_start3A_60 = arith.constant 0 : i32
    %dma_start3A_61 = arith.constant 0 : i32
    %dma_start3A_62 = tpu.memref_slice %arg4[%dma_start3A_60, %dma_start3A_61] : memref<1000000x64xf32, #tpu.memory_space<hbm>> -> memref<1000000x64xf32, #tpu.memory_space<hbm>>
    tpu.enqueue_indirect_dma source(%dma_start3A_62 : memref<1000000x64xf32, #tpu.memory_space<hbm>>) target(%arg15 : memref<128x64xf32, #tpu.memory_space<vmem>>) offsets(%dma_start3A_59 : memref<128xi32, #tpu.memory_space<vmem>>) semaphore(%arg24 : memref<!tpu.dma_semaphore, #tpu.memory_space<semaphore_mem>>)
    %scan3A_63 = arith.constant 0 : i32
    %scan3A_64 = arith.constant 25 : i32
    %scan3A_65 = arith.addi %scan3A_63, %scan3A_64 : i32
    %scan3A_66 = arith.constant 1 : i32
    scf.for %scan3A_72 = %scan3A_63 to %scan3A_65 step %scan3A_66  : i32 {
      %mul3A_73 = arith.constant 8 : i32
      %mul3A_74 = arith.muli %scan3A_72, %mul3A_73 : i32
      %add3A_75 = arith.constant 0 : i32
      %add3A_76 = arith.addi %add3A_75, %mul3A_74 : i32
      %dma_wait3A = arith.constant 0 : i32
      %dma_wait3A_77 = arith.constant 0 : i32
      %dma_wait3A_78 = tpu.memref_slice %arg6[%dma_wait3A, %dma_wait3A_77] : memref<200x128xi32, #tpu.memory_space<vmem>> -> memref<1x128xi32, #tpu.memory_space<vmem>>
      %dma_wait3A_79 = tpu.memref_squeeze %dma_wait3A_78 : memref<1x128xi32, #tpu.memory_space<vmem>> -> memref<128xi32, #tpu.memory_space<vmem>>
      %dma_wait3A_80 = arith.constant 0 : i32
      %dma_wait3A_81 = arith.constant 0 : i32
      %dma_wait3A_82 = tpu.memref_slice %arg4[%dma_wait3A_80, %dma_wait3A_81] : memref<1000000x64xf32, #tpu.memory_space<hbm>> -> memref<1000000x64xf32, #tpu.memory_space<hbm>>
      tpu.wait_indirect_dma semaphore(%arg17 : memref<!tpu.dma_semaphore, #tpu.memory_space<semaphore_mem>>) src(%dma_wait3A_82 : memref<1000000x64xf32, #tpu.memory_space<hbm>>) dst(%arg8 : memref<128x64xf32, #tpu.memory_space<vmem>>)
      %add3A_83 = arith.constant 0 : i32
      %add3A_84 = arith.addi %add3A_76, %add3A_83 : i32
      %dma_start3A_85 = arith.constant 0 : i32
      %dma_start3A_86 = tpu.memref_slice %arg7[%add3A_84, %dma_start3A_85] : memref<200x128xi32, #tpu.memory_space<vmem>> -> memref<1x128xi32, #tpu.memory_space<vmem>>
      %dma_start3A_87 = tpu.memref_squeeze %dma_start3A_86 : memref<1x128xi32, #tpu.memory_space<vmem>> -> memref<128xi32, #tpu.memory_space<vmem>>
      %dma_start3A_88 = arith.constant 0 : i32
      %dma_start3A_89 = arith.constant 0 : i32
      %dma_start3A_90 = tpu.memref_slice %arg16[%dma_start3A_88, %dma_start3A_89] : memref<2048x64xf32, #tpu.memory_space<vmem_shared>> -> memref<2048x64xf32, #tpu.memory_space<vmem_shared>>
      tpu.enqueue_indirect_dma source(%arg8 : memref<128x64xf32, #tpu.memory_space<vmem>>) target(%dma_start3A_90 : memref<2048x64xf32, #tpu.memory_space<vmem_shared>>) offsets(%dma_start3A_87 : memref<128xi32, #tpu.memory_space<vmem>>) semaphore(%arg25 : memref<!tpu.dma_semaphore, #tpu.memory_space<semaphore_mem>>) {add = true}
      %dma_wait3A_91 = arith.constant 0 : i32
      %dma_wait3A_92 = arith.constant 0 : i32
      %dma_wait3A_93 = tpu.memref_slice %arg6[%dma_wait3A_91, %dma_wait3A_92] : memref<200x128xi32, #tpu.memory_space<vmem>> -> memref<1x128xi32, #tpu.memory_space<vmem>>
      %dma_wait3A_94 = tpu.memref_squeeze %dma_wait3A_93 : memref<1x128xi32, #tpu.memory_space<vmem>> -> memref<128xi32, #tpu.memory_space<vmem>>
      %dma_wait3A_95 = arith.constant 0 : i32
      %dma_wait3A_96 = arith.constant 0 : i32
      %dma_wait3A_97 = tpu.memref_slice %arg4[%dma_wait3A_95, %dma_wait3A_96] : memref<1000000x64xf32, #tpu.memory_space<hbm>> -> memref<1000000x64xf32, #tpu.memory_space<hbm>>
      tpu.wait_indirect_dma semaphore(%arg18 : memref<!tpu.dma_semaphore, #tpu.memory_space<semaphore_mem>>) src(%dma_wait3A_97 : memref<1000000x64xf32, #tpu.memory_space<hbm>>) dst(%arg9 : memref<128x64xf32, #tpu.memory_space<vmem>>)
      %add3A_98 = arith.constant 1 : i32
      %add3A_99 = arith.addi %add3A_76, %add3A_98 : i32
      %dma_start3A_100 = arith.constant 0 : i32
      %dma_start3A_101 = tpu.memref_slice %arg7[%add3A_99, %dma_start3A_100] : memref<200x128xi32, #tpu.memory_space<vmem>> -> memref<1x128xi32, #tpu.memory_space<vmem>>
      %dma_start3A_102 = tpu.memref_squeeze %dma_start3A_101 : memref<1x128xi32, #tpu.memory_space<vmem>> -> memref<128xi32, #tpu.memory_space<vmem>>
      %dma_start3A_103 = arith.constant 0 : i32
      %dma_start3A_104 = arith.constant 0 : i32
      %dma_start3A_105 = tpu.memref_slice %arg16[%dma_start3A_103, %dma_start3A_104] : memref<2048x64xf32, #tpu.memory_space<vmem_shared>> -> memref<2048x64xf32, #tpu.memory_space<vmem_shared>>
      tpu.enqueue_indirect_dma source(%arg9 : memref<128x64xf32, #tpu.memory_space<vmem>>) target(%dma_start3A_105 : memref<2048x64xf32, #tpu.memory_space<vmem_shared>>) offsets(%dma_start3A_102 : memref<128xi32, #tpu.memory_space<vmem>>) semaphore(%arg26 : memref<!tpu.dma_semaphore, #tpu.memory_space<semaphore_mem>>) {add = true}
      %dma_wait3A_106 = arith.constant 0 : i32
      %dma_wait3A_107 = arith.constant 0 : i32
      %dma_wait3A_108 = tpu.memref_slice %arg6[%dma_wait3A_106, %dma_wait3A_107] : memref<200x128xi32, #tpu.memory_space<vmem>> -> memref<1x128xi32, #tpu.memory_space<vmem>>
      %dma_wait3A_109 = tpu.memref_squeeze %dma_wait3A_108 : memref<1x128xi32, #tpu.memory_space<vmem>> -> memref<128xi32, #tpu.memory_space<vmem>>
      %dma_wait3A_110 = arith.constant 0 : i32
      %dma_wait3A_111 = arith.constant 0 : i32
      %dma_wait3A_112 = tpu.memref_slice %arg4[%dma_wait3A_110, %dma_wait3A_111] : memref<1000000x64xf32, #tpu.memory_space<hbm>> -> memref<1000000x64xf32, #tpu.memory_space<hbm>>
      tpu.wait_indirect_dma semaphore(%arg19 : memref<!tpu.dma_semaphore, #tpu.memory_space<semaphore_mem>>) src(%dma_wait3A_112 : memref<1000000x64xf32, #tpu.memory_space<hbm>>) dst(%arg10 : memref<128x64xf32, #tpu.memory_space<vmem>>)
      %add3A_113 = arith.constant 2 : i32
      %add3A_114 = arith.addi %add3A_76, %add3A_113 : i32
      %dma_start3A_115 = arith.constant 0 : i32
      %dma_start3A_116 = tpu.memref_slice %arg7[%add3A_114, %dma_start3A_115] : memref<200x128xi32, #tpu.memory_space<vmem>> -> memref<1x128xi32, #tpu.memory_space<vmem>>
      %dma_start3A_117 = tpu.memref_squeeze %dma_start3A_116 : memref<1x128xi32, #tpu.memory_space<vmem>> -> memref<128xi32, #tpu.memory_space<vmem>>
      %dma_start3A_118 = arith.constant 0 : i32
      %dma_start3A_119 = arith.constant 0 : i32
      %dma_start3A_120 = tpu.memref_slice %arg16[%dma_start3A_118, %dma_start3A_119] : memref<2048x64xf32, #tpu.memory_space<vmem_shared>> -> memref<2048x64xf32, #tpu.memory_space<vmem_shared>>
      tpu.enqueue_indirect_dma source(%arg10 : memref<128x64xf32, #tpu.memory_space<vmem>>) target(%dma_start3A_120 : memref<2048x64xf32, #tpu.memory_space<vmem_shared>>) offsets(%dma_start3A_117 : memref<128xi32, #tpu.memory_space<vmem>>) semaphore(%arg27 : memref<!tpu.dma_semaphore, #tpu.memory_space<semaphore_mem>>) {add = true}
      %dma_wait3A_121 = arith.constant 0 : i32
      %dma_wait3A_122 = arith.constant 0 : i32
      %dma_wait3A_123 = tpu.memref_slice %arg6[%dma_wait3A_121, %dma_wait3A_122] : memref<200x128xi32, #tpu.memory_space<vmem>> -> memref<1x128xi32, #tpu.memory_space<vmem>>
      %dma_wait3A_124 = tpu.memref_squeeze %dma_wait3A_123 : memref<1x128xi32, #tpu.memory_space<vmem>> -> memref<128xi32, #tpu.memory_space<vmem>>
      %dma_wait3A_125 = arith.constant 0 : i32
      %dma_wait3A_126 = arith.constant 0 : i32
      %dma_wait3A_127 = tpu.memref_slice %arg4[%dma_wait3A_125, %dma_wait3A_126] : memref<1000000x64xf32, #tpu.memory_space<hbm>> -> memref<1000000x64xf32, #tpu.memory_space<hbm>>
      tpu.wait_indirect_dma semaphore(%arg20 : memref<!tpu.dma_semaphore, #tpu.memory_space<semaphore_mem>>) src(%dma_wait3A_127 : memref<1000000x64xf32, #tpu.memory_space<hbm>>) dst(%arg11 : memref<128x64xf32, #tpu.memory_space<vmem>>)
      %add3A_128 = arith.constant 3 : i32
      %add3A_129 = arith.addi %add3A_76, %add3A_128 : i32
      %dma_start3A_130 = arith.constant 0 : i32
      %dma_start3A_131 = tpu.memref_slice %arg7[%add3A_129, %dma_start3A_130] : memref<200x128xi32, #tpu.memory_space<vmem>> -> memref<1x128xi32, #tpu.memory_space<vmem>>
      %dma_start3A_132 = tpu.memref_squeeze %dma_start3A_131 : memref<1x128xi32, #tpu.memory_space<vmem>> -> memref<128xi32, #tpu.memory_space<vmem>>
      %dma_start3A_133 = arith.constant 0 : i32
      %dma_start3A_134 = arith.constant 0 : i32
      %dma_start3A_135 = tpu.memref_slice %arg16[%dma_start3A_133, %dma_start3A_134] : memref<2048x64xf32, #tpu.memory_space<vmem_shared>> -> memref<2048x64xf32, #tpu.memory_space<vmem_shared>>
      tpu.enqueue_indirect_dma source(%arg11 : memref<128x64xf32, #tpu.memory_space<vmem>>) target(%dma_start3A_135 : memref<2048x64xf32, #tpu.memory_space<vmem_shared>>) offsets(%dma_start3A_132 : memref<128xi32, #tpu.memory_space<vmem>>) semaphore(%arg28 : memref<!tpu.dma_semaphore, #tpu.memory_space<semaphore_mem>>) {add = true}
      %dma_wait3A_136 = arith.constant 0 : i32
      %dma_wait3A_137 = arith.constant 0 : i32
      %dma_wait3A_138 = tpu.memref_slice %arg6[%dma_wait3A_136, %dma_wait3A_137] : memref<200x128xi32, #tpu.memory_space<vmem>> -> memref<1x128xi32, #tpu.memory_space<vmem>>
      %dma_wait3A_139 = tpu.memref_squeeze %dma_wait3A_138 : memref<1x128xi32, #tpu.memory_space<vmem>> -> memref<128xi32, #tpu.memory_space<vmem>>
      %dma_wait3A_140 = arith.constant 0 : i32
      %dma_wait3A_141 = arith.constant 0 : i32
      %dma_wait3A_142 = tpu.memref_slice %arg4[%dma_wait3A_140, %dma_wait3A_141] : memref<1000000x64xf32, #tpu.memory_space<hbm>> -> memref<1000000x64xf32, #tpu.memory_space<hbm>>
      tpu.wait_indirect_dma semaphore(%arg21 : memref<!tpu.dma_semaphore, #tpu.memory_space<semaphore_mem>>) src(%dma_wait3A_142 : memref<1000000x64xf32, #tpu.memory_space<hbm>>) dst(%arg12 : memref<128x64xf32, #tpu.memory_space<vmem>>)
      %add3A_143 = arith.constant 4 : i32
      %add3A_144 = arith.addi %add3A_76, %add3A_143 : i32
      %dma_start3A_145 = arith.constant 0 : i32
      %dma_start3A_146 = tpu.memref_slice %arg7[%add3A_144, %dma_start3A_145] : memref<200x128xi32, #tpu.memory_space<vmem>> -> memref<1x128xi32, #tpu.memory_space<vmem>>
      %dma_start3A_147 = tpu.memref_squeeze %dma_start3A_146 : memref<1x128xi32, #tpu.memory_space<vmem>> -> memref<128xi32, #tpu.memory_space<vmem>>
      %dma_start3A_148 = arith.constant 0 : i32
      %dma_start3A_149 = arith.constant 0 : i32
      %dma_start3A_150 = tpu.memref_slice %arg16[%dma_start3A_148, %dma_start3A_149] : memref<2048x64xf32, #tpu.memory_space<vmem_shared>> -> memref<2048x64xf32, #tpu.memory_space<vmem_shared>>
      tpu.enqueue_indirect_dma source(%arg12 : memref<128x64xf32, #tpu.memory_space<vmem>>) target(%dma_start3A_150 : memref<2048x64xf32, #tpu.memory_space<vmem_shared>>) offsets(%dma_start3A_147 : memref<128xi32, #tpu.memory_space<vmem>>) semaphore(%arg29 : memref<!tpu.dma_semaphore, #tpu.memory_space<semaphore_mem>>) {add = true}
      %dma_wait3A_151 = arith.constant 0 : i32
      %dma_wait3A_152 = arith.constant 0 : i32
      %dma_wait3A_153 = tpu.memref_slice %arg6[%dma_wait3A_151, %dma_wait3A_152] : memref<200x128xi32, #tpu.memory_space<vmem>> -> memref<1x128xi32, #tpu.memory_space<vmem>>
      %dma_wait3A_154 = tpu.memref_squeeze %dma_wait3A_153 : memref<1x128xi32, #tpu.memory_space<vmem>> -> memref<128xi32, #tpu.memory_space<vmem>>
      %dma_wait3A_155 = arith.constant 0 : i32
      %dma_wait3A_156 = arith.constant 0 : i32
      %dma_wait3A_157 = tpu.memref_slice %arg4[%dma_wait3A_155, %dma_wait3A_156] : memref<1000000x64xf32, #tpu.memory_space<hbm>> -> memref<1000000x64xf32, #tpu.memory_space<hbm>>
      tpu.wait_indirect_dma semaphore(%arg22 : memref<!tpu.dma_semaphore, #tpu.memory_space<semaphore_mem>>) src(%dma_wait3A_157 : memref<1000000x64xf32, #tpu.memory_space<hbm>>) dst(%arg13 : memref<128x64xf32, #tpu.memory_space<vmem>>)
      %add3A_158 = arith.constant 5 : i32
      %add3A_159 = arith.addi %add3A_76, %add3A_158 : i32
      %dma_start3A_160 = arith.constant 0 : i32
      %dma_start3A_161 = tpu.memref_slice %arg7[%add3A_159, %dma_start3A_160] : memref<200x128xi32, #tpu.memory_space<vmem>> -> memref<1x128xi32, #tpu.memory_space<vmem>>
      %dma_start3A_162 = tpu.memref_squeeze %dma_start3A_161 : memref<1x128xi32, #tpu.memory_space<vmem>> -> memref<128xi32, #tpu.memory_space<vmem>>
      %dma_start3A_163 = arith.constant 0 : i32
      %dma_start3A_164 = arith.constant 0 : i32
      %dma_start3A_165 = tpu.memref_slice %arg16[%dma_start3A_163, %dma_start3A_164] : memref<2048x64xf32, #tpu.memory_space<vmem_shared>> -> memref<2048x64xf32, #tpu.memory_space<vmem_shared>>
      tpu.enqueue_indirect_dma source(%arg13 : memref<128x64xf32, #tpu.memory_space<vmem>>) target(%dma_start3A_165 : memref<2048x64xf32, #tpu.memory_space<vmem_shared>>) offsets(%dma_start3A_162 : memref<128xi32, #tpu.memory_space<vmem>>) semaphore(%arg30 : memref<!tpu.dma_semaphore, #tpu.memory_space<semaphore_mem>>) {add = true}
      %dma_wait3A_166 = arith.constant 0 : i32
      %dma_wait3A_167 = arith.constant 0 : i32
      %dma_wait3A_168 = tpu.memref_slice %arg6[%dma_wait3A_166, %dma_wait3A_167] : memref<200x128xi32, #tpu.memory_space<vmem>> -> memref<1x128xi32, #tpu.memory_space<vmem>>
      %dma_wait3A_169 = tpu.memref_squeeze %dma_wait3A_168 : memref<1x128xi32, #tpu.memory_space<vmem>> -> memref<128xi32, #tpu.memory_space<vmem>>
      %dma_wait3A_170 = arith.constant 0 : i32
      %dma_wait3A_171 = arith.constant 0 : i32
      %dma_wait3A_172 = tpu.memref_slice %arg4[%dma_wait3A_170, %dma_wait3A_171] : memref<1000000x64xf32, #tpu.memory_space<hbm>> -> memref<1000000x64xf32, #tpu.memory_space<hbm>>
      tpu.wait_indirect_dma semaphore(%arg23 : memref<!tpu.dma_semaphore, #tpu.memory_space<semaphore_mem>>) src(%dma_wait3A_172 : memref<1000000x64xf32, #tpu.memory_space<hbm>>) dst(%arg14 : memref<128x64xf32, #tpu.memory_space<vmem>>)
      %add3A_173 = arith.constant 6 : i32
      %add3A_174 = arith.addi %add3A_76, %add3A_173 : i32
      %dma_start3A_175 = arith.constant 0 : i32
      %dma_start3A_176 = tpu.memref_slice %arg7[%add3A_174, %dma_start3A_175] : memref<200x128xi32, #tpu.memory_space<vmem>> -> memref<1x128xi32, #tpu.memory_space<vmem>>
      %dma_start3A_177 = tpu.memref_squeeze %dma_start3A_176 : memref<1x128xi32, #tpu.memory_space<vmem>> -> memref<128xi32, #tpu.memory_space<vmem>>
      %dma_start3A_178 = arith.constant 0 : i32
      %dma_start3A_179 = arith.constant 0 : i32
      %dma_start3A_180 = tpu.memref_slice %arg16[%dma_start3A_178, %dma_start3A_179] : memref<2048x64xf32, #tpu.memory_space<vmem_shared>> -> memref<2048x64xf32, #tpu.memory_space<vmem_shared>>
      tpu.enqueue_indirect_dma source(%arg14 : memref<128x64xf32, #tpu.memory_space<vmem>>) target(%dma_start3A_180 : memref<2048x64xf32, #tpu.memory_space<vmem_shared>>) offsets(%dma_start3A_177 : memref<128xi32, #tpu.memory_space<vmem>>) semaphore(%arg31 : memref<!tpu.dma_semaphore, #tpu.memory_space<semaphore_mem>>) {add = true}
      %dma_wait3A_181 = arith.constant 0 : i32
      %dma_wait3A_182 = arith.constant 0 : i32
      %dma_wait3A_183 = tpu.memref_slice %arg6[%dma_wait3A_181, %dma_wait3A_182] : memref<200x128xi32, #tpu.memory_space<vmem>> -> memref<1x128xi32, #tpu.memory_space<vmem>>
      %dma_wait3A_184 = tpu.memref_squeeze %dma_wait3A_183 : memref<1x128xi32, #tpu.memory_space<vmem>> -> memref<128xi32, #tpu.memory_space<vmem>>
      %dma_wait3A_185 = arith.constant 0 : i32
      %dma_wait3A_186 = arith.constant 0 : i32
      %dma_wait3A_187 = tpu.memref_slice %arg4[%dma_wait3A_185, %dma_wait3A_186] : memref<1000000x64xf32, #tpu.memory_space<hbm>> -> memref<1000000x64xf32, #tpu.memory_space<hbm>>
      tpu.wait_indirect_dma semaphore(%arg24 : memref<!tpu.dma_semaphore, #tpu.memory_space<semaphore_mem>>) src(%dma_wait3A_187 : memref<1000000x64xf32, #tpu.memory_space<hbm>>) dst(%arg15 : memref<128x64xf32, #tpu.memory_space<vmem>>)
      %add3A_188 = arith.constant 7 : i32
      %add3A_189 = arith.addi %add3A_76, %add3A_188 : i32
      %dma_start3A_190 = arith.constant 0 : i32
      %dma_start3A_191 = tpu.memref_slice %arg7[%add3A_189, %dma_start3A_190] : memref<200x128xi32, #tpu.memory_space<vmem>> -> memref<1x128xi32, #tpu.memory_space<vmem>>
      %dma_start3A_192 = tpu.memref_squeeze %dma_start3A_191 : memref<1x128xi32, #tpu.memory_space<vmem>> -> memref<128xi32, #tpu.memory_space<vmem>>
      %dma_start3A_193 = arith.constant 0 : i32
      %dma_start3A_194 = arith.constant 0 : i32
      %dma_start3A_195 = tpu.memref_slice %arg16[%dma_start3A_193, %dma_start3A_194] : memref<2048x64xf32, #tpu.memory_space<vmem_shared>> -> memref<2048x64xf32, #tpu.memory_space<vmem_shared>>
      tpu.enqueue_indirect_dma source(%arg15 : memref<128x64xf32, #tpu.memory_space<vmem>>) target(%dma_start3A_195 : memref<2048x64xf32, #tpu.memory_space<vmem_shared>>) offsets(%dma_start3A_192 : memref<128xi32, #tpu.memory_space<vmem>>) semaphore(%arg32 : memref<!tpu.dma_semaphore, #tpu.memory_space<semaphore_mem>>) {add = true}
      %dma_wait3A_196 = arith.constant 0 : i32
      %dma_wait3A_197 = tpu.memref_slice %arg7[%add3A_84, %dma_wait3A_196] : memref<200x128xi32, #tpu.memory_space<vmem>> -> memref<1x128xi32, #tpu.memory_space<vmem>>
      %dma_wait3A_198 = tpu.memref_squeeze %dma_wait3A_197 : memref<1x128xi32, #tpu.memory_space<vmem>> -> memref<128xi32, #tpu.memory_space<vmem>>
      %dma_wait3A_199 = arith.constant 0 : i32
      %dma_wait3A_200 = arith.constant 0 : i32
      %dma_wait3A_201 = tpu.memref_slice %arg16[%dma_wait3A_199, %dma_wait3A_200] : memref<2048x64xf32, #tpu.memory_space<vmem_shared>> -> memref<2048x64xf32, #tpu.memory_space<vmem_shared>>
      tpu.wait_indirect_dma semaphore(%arg25 : memref<!tpu.dma_semaphore, #tpu.memory_space<semaphore_mem>>) src(%arg8 : memref<128x64xf32, #tpu.memory_space<vmem>>) dst(%dma_wait3A_201 : memref<2048x64xf32, #tpu.memory_space<vmem_shared>>)
      %add3A_202 = arith.constant 8 : i32
      %add3A_203 = arith.addi %add3A_76, %add3A_202 : i32
      %add3A_204 = arith.constant 0 : i32
      %add3A_205 = arith.addi %add3A_203, %add3A_204 : i32
      %lt3A = arith.constant 200 : i32
      %lt3A_206 = arith.cmpi slt, %add3A_205, %lt3A : i32
      %convert_element_type3A = arith.extui %lt3A_206 : i1 to i32
      %cond3A = arith.constant 0 : i32
      %cond3A_207 = arith.cmpi ne, %convert_element_type3A, %cond3A : i32
      scf.if %cond3A_207 {
        %add3A_313 = arith.constant 8 : i32
        %add3A_314 = arith.addi %add3A_76, %add3A_313 : i32
        %add3A_315 = arith.constant 0 : i32
        %add3A_316 = arith.addi %add3A_314, %add3A_315 : i32
        %dma_start3A_317 = arith.constant 0 : i32
        %dma_start3A_318 = tpu.memref_slice %arg6[%add3A_316, %dma_start3A_317] : memref<200x128xi32, #tpu.memory_space<vmem>> -> memref<1x128xi32, #tpu.memory_space<vmem>>
        %dma_start3A_319 = tpu.memref_squeeze %dma_start3A_318 : memref<1x128xi32, #tpu.memory_space<vmem>> -> memref<128xi32, #tpu.memory_space<vmem>>
        %dma_start3A_320 = arith.constant 0 : i32
        %dma_start3A_321 = arith.constant 0 : i32
        %dma_start3A_322 = tpu.memref_slice %arg4[%dma_start3A_320, %dma_start3A_321] : memref<1000000x64xf32, #tpu.memory_space<hbm>> -> memref<1000000x64xf32, #tpu.memory_space<hbm>>
        tpu.enqueue_indirect_dma source(%dma_start3A_322 : memref<1000000x64xf32, #tpu.memory_space<hbm>>) target(%arg8 : memref<128x64xf32, #tpu.memory_space<vmem>>) offsets(%dma_start3A_319 : memref<128xi32, #tpu.memory_space<vmem>>) semaphore(%arg17 : memref<!tpu.dma_semaphore, #tpu.memory_space<semaphore_mem>>)
      } else {
      }
      %dma_wait3A_208 = arith.constant 0 : i32
      %dma_wait3A_209 = tpu.memref_slice %arg7[%add3A_99, %dma_wait3A_208] : memref<200x128xi32, #tpu.memory_space<vmem>> -> memref<1x128xi32, #tpu.memory_space<vmem>>
      %dma_wait3A_210 = tpu.memref_squeeze %dma_wait3A_209 : memref<1x128xi32, #tpu.memory_space<vmem>> -> memref<128xi32, #tpu.memory_space<vmem>>
      %dma_wait3A_211 = arith.constant 0 : i32
      %dma_wait3A_212 = arith.constant 0 : i32
      %dma_wait3A_213 = tpu.memref_slice %arg16[%dma_wait3A_211, %dma_wait3A_212] : memref<2048x64xf32, #tpu.memory_space<vmem_shared>> -> memref<2048x64xf32, #tpu.memory_space<vmem_shared>>
      tpu.wait_indirect_dma semaphore(%arg26 : memref<!tpu.dma_semaphore, #tpu.memory_space<semaphore_mem>>) src(%arg9 : memref<128x64xf32, #tpu.memory_space<vmem>>) dst(%dma_wait3A_213 : memref<2048x64xf32, #tpu.memory_space<vmem_shared>>)
      %add3A_214 = arith.constant 8 : i32
      %add3A_215 = arith.addi %add3A_76, %add3A_214 : i32
      %add3A_216 = arith.constant 1 : i32
      %add3A_217 = arith.addi %add3A_215, %add3A_216 : i32
      %lt3A_218 = arith.constant 200 : i32
      %lt3A_219 = arith.cmpi slt, %add3A_217, %lt3A_218 : i32
      %convert_element_type3A_220 = arith.extui %lt3A_219 : i1 to i32
      %cond3A_221 = arith.constant 0 : i32
      %cond3A_222 = arith.cmpi ne, %convert_element_type3A_220, %cond3A_221 : i32
      scf.if %cond3A_222 {
        %add3A_313 = arith.constant 8 : i32
        %add3A_314 = arith.addi %add3A_76, %add3A_313 : i32
        %add3A_315 = arith.constant 1 : i32
        %add3A_316 = arith.addi %add3A_314, %add3A_315 : i32
        %dma_start3A_317 = arith.constant 0 : i32
        %dma_start3A_318 = tpu.memref_slice %arg6[%add3A_316, %dma_start3A_317] : memref<200x128xi32, #tpu.memory_space<vmem>> -> memref<1x128xi32, #tpu.memory_space<vmem>>
        %dma_start3A_319 = tpu.memref_squeeze %dma_start3A_318 : memref<1x128xi32, #tpu.memory_space<vmem>> -> memref<128xi32, #tpu.memory_space<vmem>>
        %dma_start3A_320 = arith.constant 0 : i32
        %dma_start3A_321 = arith.constant 0 : i32
        %dma_start3A_322 = tpu.memref_slice %arg4[%dma_start3A_320, %dma_start3A_321] : memref<1000000x64xf32, #tpu.memory_space<hbm>> -> memref<1000000x64xf32, #tpu.memory_space<hbm>>
        tpu.enqueue_indirect_dma source(%dma_start3A_322 : memref<1000000x64xf32, #tpu.memory_space<hbm>>) target(%arg9 : memref<128x64xf32, #tpu.memory_space<vmem>>) offsets(%dma_start3A_319 : memref<128xi32, #tpu.memory_space<vmem>>) semaphore(%arg18 : memref<!tpu.dma_semaphore, #tpu.memory_space<semaphore_mem>>)
      } else {
      }
      %dma_wait3A_223 = arith.constant 0 : i32
      %dma_wait3A_224 = tpu.memref_slice %arg7[%add3A_114, %dma_wait3A_223] : memref<200x128xi32, #tpu.memory_space<vmem>> -> memref<1x128xi32, #tpu.memory_space<vmem>>
      %dma_wait3A_225 = tpu.memref_squeeze %dma_wait3A_224 : memref<1x128xi32, #tpu.memory_space<vmem>> -> memref<128xi32, #tpu.memory_space<vmem>>
      %dma_wait3A_226 = arith.constant 0 : i32
      %dma_wait3A_227 = arith.constant 0 : i32
      %dma_wait3A_228 = tpu.memref_slice %arg16[%dma_wait3A_226, %dma_wait3A_227] : memref<2048x64xf32, #tpu.memory_space<vmem_shared>> -> memref<2048x64xf32, #tpu.memory_space<vmem_shared>>
      tpu.wait_indirect_dma semaphore(%arg27 : memref<!tpu.dma_semaphore, #tpu.memory_space<semaphore_mem>>) src(%arg10 : memref<128x64xf32, #tpu.memory_space<vmem>>) dst(%dma_wait3A_228 : memref<2048x64xf32, #tpu.memory_space<vmem_shared>>)
      %add3A_229 = arith.constant 8 : i32
      %add3A_230 = arith.addi %add3A_76, %add3A_229 : i32
      %add3A_231 = arith.constant 2 : i32
      %add3A_232 = arith.addi %add3A_230, %add3A_231 : i32
      %lt3A_233 = arith.constant 200 : i32
      %lt3A_234 = arith.cmpi slt, %add3A_232, %lt3A_233 : i32
      %convert_element_type3A_235 = arith.extui %lt3A_234 : i1 to i32
      %cond3A_236 = arith.constant 0 : i32
      %cond3A_237 = arith.cmpi ne, %convert_element_type3A_235, %cond3A_236 : i32
      scf.if %cond3A_237 {
        %add3A_313 = arith.constant 8 : i32
        %add3A_314 = arith.addi %add3A_76, %add3A_313 : i32
        %add3A_315 = arith.constant 2 : i32
        %add3A_316 = arith.addi %add3A_314, %add3A_315 : i32
        %dma_start3A_317 = arith.constant 0 : i32
        %dma_start3A_318 = tpu.memref_slice %arg6[%add3A_316, %dma_start3A_317] : memref<200x128xi32, #tpu.memory_space<vmem>> -> memref<1x128xi32, #tpu.memory_space<vmem>>
        %dma_start3A_319 = tpu.memref_squeeze %dma_start3A_318 : memref<1x128xi32, #tpu.memory_space<vmem>> -> memref<128xi32, #tpu.memory_space<vmem>>
        %dma_start3A_320 = arith.constant 0 : i32
        %dma_start3A_321 = arith.constant 0 : i32
        %dma_start3A_322 = tpu.memref_slice %arg4[%dma_start3A_320, %dma_start3A_321] : memref<1000000x64xf32, #tpu.memory_space<hbm>> -> memref<1000000x64xf32, #tpu.memory_space<hbm>>
        tpu.enqueue_indirect_dma source(%dma_start3A_322 : memref<1000000x64xf32, #tpu.memory_space<hbm>>) target(%arg10 : memref<128x64xf32, #tpu.memory_space<vmem>>) offsets(%dma_start3A_319 : memref<128xi32, #tpu.memory_space<vmem>>) semaphore(%arg19 : memref<!tpu.dma_semaphore, #tpu.memory_space<semaphore_mem>>)
      } else {
      }
      %dma_wait3A_238 = arith.constant 0 : i32
      %dma_wait3A_239 = tpu.memref_slice %arg7[%add3A_129, %dma_wait3A_238] : memref<200x128xi32, #tpu.memory_space<vmem>> -> memref<1x128xi32, #tpu.memory_space<vmem>>
      %dma_wait3A_240 = tpu.memref_squeeze %dma_wait3A_239 : memref<1x128xi32, #tpu.memory_space<vmem>> -> memref<128xi32, #tpu.memory_space<vmem>>
      %dma_wait3A_241 = arith.constant 0 : i32
      %dma_wait3A_242 = arith.constant 0 : i32
      %dma_wait3A_243 = tpu.memref_slice %arg16[%dma_wait3A_241, %dma_wait3A_242] : memref<2048x64xf32, #tpu.memory_space<vmem_shared>> -> memref<2048x64xf32, #tpu.memory_space<vmem_shared>>
      tpu.wait_indirect_dma semaphore(%arg28 : memref<!tpu.dma_semaphore, #tpu.memory_space<semaphore_mem>>) src(%arg11 : memref<128x64xf32, #tpu.memory_space<vmem>>) dst(%dma_wait3A_243 : memref<2048x64xf32, #tpu.memory_space<vmem_shared>>)
      %add3A_244 = arith.constant 8 : i32
      %add3A_245 = arith.addi %add3A_76, %add3A_244 : i32
      %add3A_246 = arith.constant 3 : i32
      %add3A_247 = arith.addi %add3A_245, %add3A_246 : i32
      %lt3A_248 = arith.constant 200 : i32
      %lt3A_249 = arith.cmpi slt, %add3A_247, %lt3A_248 : i32
      %convert_element_type3A_250 = arith.extui %lt3A_249 : i1 to i32
      %cond3A_251 = arith.constant 0 : i32
      %cond3A_252 = arith.cmpi ne, %convert_element_type3A_250, %cond3A_251 : i32
      scf.if %cond3A_252 {
        %add3A_313 = arith.constant 8 : i32
        %add3A_314 = arith.addi %add3A_76, %add3A_313 : i32
        %add3A_315 = arith.constant 3 : i32
        %add3A_316 = arith.addi %add3A_314, %add3A_315 : i32
        %dma_start3A_317 = arith.constant 0 : i32
        %dma_start3A_318 = tpu.memref_slice %arg6[%add3A_316, %dma_start3A_317] : memref<200x128xi32, #tpu.memory_space<vmem>> -> memref<1x128xi32, #tpu.memory_space<vmem>>
        %dma_start3A_319 = tpu.memref_squeeze %dma_start3A_318 : memref<1x128xi32, #tpu.memory_space<vmem>> -> memref<128xi32, #tpu.memory_space<vmem>>
        %dma_start3A_320 = arith.constant 0 : i32
        %dma_start3A_321 = arith.constant 0 : i32
        %dma_start3A_322 = tpu.memref_slice %arg4[%dma_start3A_320, %dma_start3A_321] : memref<1000000x64xf32, #tpu.memory_space<hbm>> -> memref<1000000x64xf32, #tpu.memory_space<hbm>>
        tpu.enqueue_indirect_dma source(%dma_start3A_322 : memref<1000000x64xf32, #tpu.memory_space<hbm>>) target(%arg11 : memref<128x64xf32, #tpu.memory_space<vmem>>) offsets(%dma_start3A_319 : memref<128xi32, #tpu.memory_space<vmem>>) semaphore(%arg20 : memref<!tpu.dma_semaphore, #tpu.memory_space<semaphore_mem>>)
      } else {
      }
      %dma_wait3A_253 = arith.constant 0 : i32
      %dma_wait3A_254 = tpu.memref_slice %arg7[%add3A_144, %dma_wait3A_253] : memref<200x128xi32, #tpu.memory_space<vmem>> -> memref<1x128xi32, #tpu.memory_space<vmem>>
      %dma_wait3A_255 = tpu.memref_squeeze %dma_wait3A_254 : memref<1x128xi32, #tpu.memory_space<vmem>> -> memref<128xi32, #tpu.memory_space<vmem>>
      %dma_wait3A_256 = arith.constant 0 : i32
      %dma_wait3A_257 = arith.constant 0 : i32
      %dma_wait3A_258 = tpu.memref_slice %arg16[%dma_wait3A_256, %dma_wait3A_257] : memref<2048x64xf32, #tpu.memory_space<vmem_shared>> -> memref<2048x64xf32, #tpu.memory_space<vmem_shared>>
      tpu.wait_indirect_dma semaphore(%arg29 : memref<!tpu.dma_semaphore, #tpu.memory_space<semaphore_mem>>) src(%arg12 : memref<128x64xf32, #tpu.memory_space<vmem>>) dst(%dma_wait3A_258 : memref<2048x64xf32, #tpu.memory_space<vmem_shared>>)
      %add3A_259 = arith.constant 8 : i32
      %add3A_260 = arith.addi %add3A_76, %add3A_259 : i32
      %add3A_261 = arith.constant 4 : i32
      %add3A_262 = arith.addi %add3A_260, %add3A_261 : i32
      %lt3A_263 = arith.constant 200 : i32
      %lt3A_264 = arith.cmpi slt, %add3A_262, %lt3A_263 : i32
      %convert_element_type3A_265 = arith.extui %lt3A_264 : i1 to i32
      %cond3A_266 = arith.constant 0 : i32
      %cond3A_267 = arith.cmpi ne, %convert_element_type3A_265, %cond3A_266 : i32
      scf.if %cond3A_267 {
        %add3A_313 = arith.constant 8 : i32
        %add3A_314 = arith.addi %add3A_76, %add3A_313 : i32
        %add3A_315 = arith.constant 4 : i32
        %add3A_316 = arith.addi %add3A_314, %add3A_315 : i32
        %dma_start3A_317 = arith.constant 0 : i32
        %dma_start3A_318 = tpu.memref_slice %arg6[%add3A_316, %dma_start3A_317] : memref<200x128xi32, #tpu.memory_space<vmem>> -> memref<1x128xi32, #tpu.memory_space<vmem>>
        %dma_start3A_319 = tpu.memref_squeeze %dma_start3A_318 : memref<1x128xi32, #tpu.memory_space<vmem>> -> memref<128xi32, #tpu.memory_space<vmem>>
        %dma_start3A_320 = arith.constant 0 : i32
        %dma_start3A_321 = arith.constant 0 : i32
        %dma_start3A_322 = tpu.memref_slice %arg4[%dma_start3A_320, %dma_start3A_321] : memref<1000000x64xf32, #tpu.memory_space<hbm>> -> memref<1000000x64xf32, #tpu.memory_space<hbm>>
        tpu.enqueue_indirect_dma source(%dma_start3A_322 : memref<1000000x64xf32, #tpu.memory_space<hbm>>) target(%arg12 : memref<128x64xf32, #tpu.memory_space<vmem>>) offsets(%dma_start3A_319 : memref<128xi32, #tpu.memory_space<vmem>>) semaphore(%arg21 : memref<!tpu.dma_semaphore, #tpu.memory_space<semaphore_mem>>)
      } else {
      }
      %dma_wait3A_268 = arith.constant 0 : i32
      %dma_wait3A_269 = tpu.memref_slice %arg7[%add3A_159, %dma_wait3A_268] : memref<200x128xi32, #tpu.memory_space<vmem>> -> memref<1x128xi32, #tpu.memory_space<vmem>>
      %dma_wait3A_270 = tpu.memref_squeeze %dma_wait3A_269 : memref<1x128xi32, #tpu.memory_space<vmem>> -> memref<128xi32, #tpu.memory_space<vmem>>
      %dma_wait3A_271 = arith.constant 0 : i32
      %dma_wait3A_272 = arith.constant 0 : i32
      %dma_wait3A_273 = tpu.memref_slice %arg16[%dma_wait3A_271, %dma_wait3A_272] : memref<2048x64xf32, #tpu.memory_space<vmem_shared>> -> memref<2048x64xf32, #tpu.memory_space<vmem_shared>>
      tpu.wait_indirect_dma semaphore(%arg30 : memref<!tpu.dma_semaphore, #tpu.memory_space<semaphore_mem>>) src(%arg13 : memref<128x64xf32, #tpu.memory_space<vmem>>) dst(%dma_wait3A_273 : memref<2048x64xf32, #tpu.memory_space<vmem_shared>>)
      %add3A_274 = arith.constant 8 : i32
      %add3A_275 = arith.addi %add3A_76, %add3A_274 : i32
      %add3A_276 = arith.constant 5 : i32
      %add3A_277 = arith.addi %add3A_275, %add3A_276 : i32
      %lt3A_278 = arith.constant 200 : i32
      %lt3A_279 = arith.cmpi slt, %add3A_277, %lt3A_278 : i32
      %convert_element_type3A_280 = arith.extui %lt3A_279 : i1 to i32
      %cond3A_281 = arith.constant 0 : i32
      %cond3A_282 = arith.cmpi ne, %convert_element_type3A_280, %cond3A_281 : i32
      scf.if %cond3A_282 {
        %add3A_313 = arith.constant 8 : i32
        %add3A_314 = arith.addi %add3A_76, %add3A_313 : i32
        %add3A_315 = arith.constant 5 : i32
        %add3A_316 = arith.addi %add3A_314, %add3A_315 : i32
        %dma_start3A_317 = arith.constant 0 : i32
        %dma_start3A_318 = tpu.memref_slice %arg6[%add3A_316, %dma_start3A_317] : memref<200x128xi32, #tpu.memory_space<vmem>> -> memref<1x128xi32, #tpu.memory_space<vmem>>
        %dma_start3A_319 = tpu.memref_squeeze %dma_start3A_318 : memref<1x128xi32, #tpu.memory_space<vmem>> -> memref<128xi32, #tpu.memory_space<vmem>>
        %dma_start3A_320 = arith.constant 0 : i32
        %dma_start3A_321 = arith.constant 0 : i32
        %dma_start3A_322 = tpu.memref_slice %arg4[%dma_start3A_320, %dma_start3A_321] : memref<1000000x64xf32, #tpu.memory_space<hbm>> -> memref<1000000x64xf32, #tpu.memory_space<hbm>>
        tpu.enqueue_indirect_dma source(%dma_start3A_322 : memref<1000000x64xf32, #tpu.memory_space<hbm>>) target(%arg13 : memref<128x64xf32, #tpu.memory_space<vmem>>) offsets(%dma_start3A_319 : memref<128xi32, #tpu.memory_space<vmem>>) semaphore(%arg22 : memref<!tpu.dma_semaphore, #tpu.memory_space<semaphore_mem>>)
      } else {
      }
      %dma_wait3A_283 = arith.constant 0 : i32
      %dma_wait3A_284 = tpu.memref_slice %arg7[%add3A_174, %dma_wait3A_283] : memref<200x128xi32, #tpu.memory_space<vmem>> -> memref<1x128xi32, #tpu.memory_space<vmem>>
      %dma_wait3A_285 = tpu.memref_squeeze %dma_wait3A_284 : memref<1x128xi32, #tpu.memory_space<vmem>> -> memref<128xi32, #tpu.memory_space<vmem>>
      %dma_wait3A_286 = arith.constant 0 : i32
      %dma_wait3A_287 = arith.constant 0 : i32
      %dma_wait3A_288 = tpu.memref_slice %arg16[%dma_wait3A_286, %dma_wait3A_287] : memref<2048x64xf32, #tpu.memory_space<vmem_shared>> -> memref<2048x64xf32, #tpu.memory_space<vmem_shared>>
      tpu.wait_indirect_dma semaphore(%arg31 : memref<!tpu.dma_semaphore, #tpu.memory_space<semaphore_mem>>) src(%arg14 : memref<128x64xf32, #tpu.memory_space<vmem>>) dst(%dma_wait3A_288 : memref<2048x64xf32, #tpu.memory_space<vmem_shared>>)
      %add3A_289 = arith.constant 8 : i32
      %add3A_290 = arith.addi %add3A_76, %add3A_289 : i32
      %add3A_291 = arith.constant 6 : i32
      %add3A_292 = arith.addi %add3A_290, %add3A_291 : i32
      %lt3A_293 = arith.constant 200 : i32
      %lt3A_294 = arith.cmpi slt, %add3A_292, %lt3A_293 : i32
      %convert_element_type3A_295 = arith.extui %lt3A_294 : i1 to i32
      %cond3A_296 = arith.constant 0 : i32
      %cond3A_297 = arith.cmpi ne, %convert_element_type3A_295, %cond3A_296 : i32
      scf.if %cond3A_297 {
        %add3A_313 = arith.constant 8 : i32
        %add3A_314 = arith.addi %add3A_76, %add3A_313 : i32
        %add3A_315 = arith.constant 6 : i32
        %add3A_316 = arith.addi %add3A_314, %add3A_315 : i32
        %dma_start3A_317 = arith.constant 0 : i32
        %dma_start3A_318 = tpu.memref_slice %arg6[%add3A_316, %dma_start3A_317] : memref<200x128xi32, #tpu.memory_space<vmem>> -> memref<1x128xi32, #tpu.memory_space<vmem>>
        %dma_start3A_319 = tpu.memref_squeeze %dma_start3A_318 : memref<1x128xi32, #tpu.memory_space<vmem>> -> memref<128xi32, #tpu.memory_space<vmem>>
        %dma_start3A_320 = arith.constant 0 : i32
        %dma_start3A_321 = arith.constant 0 : i32
        %dma_start3A_322 = tpu.memref_slice %arg4[%dma_start3A_320, %dma_start3A_321] : memref<1000000x64xf32, #tpu.memory_space<hbm>> -> memref<1000000x64xf32, #tpu.memory_space<hbm>>
        tpu.enqueue_indirect_dma source(%dma_start3A_322 : memref<1000000x64xf32, #tpu.memory_space<hbm>>) target(%arg14 : memref<128x64xf32, #tpu.memory_space<vmem>>) offsets(%dma_start3A_319 : memref<128xi32, #tpu.memory_space<vmem>>) semaphore(%arg23 : memref<!tpu.dma_semaphore, #tpu.memory_space<semaphore_mem>>)
      } else {
      }
      %dma_wait3A_298 = arith.constant 0 : i32
      %dma_wait3A_299 = tpu.memref_slice %arg7[%add3A_189, %dma_wait3A_298] : memref<200x128xi32, #tpu.memory_space<vmem>> -> memref<1x128xi32, #tpu.memory_space<vmem>>
      %dma_wait3A_300 = tpu.memref_squeeze %dma_wait3A_299 : memref<1x128xi32, #tpu.memory_space<vmem>> -> memref<128xi32, #tpu.memory_space<vmem>>
      %dma_wait3A_301 = arith.constant 0 : i32
      %dma_wait3A_302 = arith.constant 0 : i32
      %dma_wait3A_303 = tpu.memref_slice %arg16[%dma_wait3A_301, %dma_wait3A_302] : memref<2048x64xf32, #tpu.memory_space<vmem_shared>> -> memref<2048x64xf32, #tpu.memory_space<vmem_shared>>
      tpu.wait_indirect_dma semaphore(%arg32 : memref<!tpu.dma_semaphore, #tpu.memory_space<semaphore_mem>>) src(%arg15 : memref<128x64xf32, #tpu.memory_space<vmem>>) dst(%dma_wait3A_303 : memref<2048x64xf32, #tpu.memory_space<vmem_shared>>)
      %add3A_304 = arith.constant 8 : i32
      %add3A_305 = arith.addi %add3A_76, %add3A_304 : i32
      %add3A_306 = arith.constant 7 : i32
      %add3A_307 = arith.addi %add3A_305, %add3A_306 : i32
      %lt3A_308 = arith.constant 200 : i32
      %lt3A_309 = arith.cmpi slt, %add3A_307, %lt3A_308 : i32
      %convert_element_type3A_310 = arith.extui %lt3A_309 : i1 to i32
      %cond3A_311 = arith.constant 0 : i32
      %cond3A_312 = arith.cmpi ne, %convert_element_type3A_310, %cond3A_311 : i32
      scf.if %cond3A_312 {
        %add3A_313 = arith.constant 8 : i32
        %add3A_314 = arith.addi %add3A_76, %add3A_313 : i32
        %add3A_315 = arith.constant 7 : i32
        %add3A_316 = arith.addi %add3A_314, %add3A_315 : i32
        %dma_start3A_317 = arith.constant 0 : i32
        %dma_start3A_318 = tpu.memref_slice %arg6[%add3A_316, %dma_start3A_317] : memref<200x128xi32, #tpu.memory_space<vmem>> -> memref<1x128xi32, #tpu.memory_space<vmem>>
        %dma_start3A_319 = tpu.memref_squeeze %dma_start3A_318 : memref<1x128xi32, #tpu.memory_space<vmem>> -> memref<128xi32, #tpu.memory_space<vmem>>
        %dma_start3A_320 = arith.constant 0 : i32
        %dma_start3A_321 = arith.constant 0 : i32
        %dma_start3A_322 = tpu.memref_slice %arg4[%dma_start3A_320, %dma_start3A_321] : memref<1000000x64xf32, #tpu.memory_space<hbm>> -> memref<1000000x64xf32, #tpu.memory_space<hbm>>
        tpu.enqueue_indirect_dma source(%dma_start3A_322 : memref<1000000x64xf32, #tpu.memory_space<hbm>>) target(%arg15 : memref<128x64xf32, #tpu.memory_space<vmem>>) offsets(%dma_start3A_319 : memref<128xi32, #tpu.memory_space<vmem>>) semaphore(%arg24 : memref<!tpu.dma_semaphore, #tpu.memory_space<semaphore_mem>>)
      } else {
      }
    }
    %scan3A_67 = arith.constant 25 : i32
    %mul3A_68 = arith.constant 128 : i32
    %mul3A_69 = arith.muli %arg1, %mul3A_68 : i32
    %mul3A_70 = arith.constant 128 : i32
    %mul3A_71 = arith.muli %add3A, %mul3A_70 : i32
    "tpu.region"() ({
      %run_scoped3A = tpu.sem_alloc : memref<!tpu.dma_semaphore, #tpu.memory_space<semaphore_mem>>
      %dma_start3A_72 = arith.constant 0 : i32
      %dma_start3A_73 = tpu.memref_slice %arg5[%mul3A_71, %dma_start3A_72] : memref<4096x64xf32, #tpu.memory_space<hbm>> -> memref<128x64xf32, #tpu.memory_space<hbm>>
      %dma_start3A_74 = arith.constant 0 : i32
      %dma_start3A_75 = tpu.memref_slice %arg16[%mul3A_69, %dma_start3A_74] : memref<2048x64xf32, #tpu.memory_space<vmem_shared>> -> memref<128x64xf32, #tpu.memory_space<vmem_shared>>
      tpu.enqueue_dma source(%dma_start3A_75 : memref<128x64xf32, #tpu.memory_space<vmem_shared>>) target(%dma_start3A_73 : memref<128x64xf32, #tpu.memory_space<hbm>>) target_semaphore(%run_scoped3A : memref<!tpu.dma_semaphore, #tpu.memory_space<semaphore_mem>>)
      %dma_wait3A = arith.constant 0 : i32
      %dma_wait3A_76 = tpu.memref_slice %arg5[%mul3A_71, %dma_wait3A] : memref<4096x64xf32, #tpu.memory_space<hbm>> -> memref<128x64xf32, #tpu.memory_space<hbm>>
      %dma_wait3A_77 = arith.constant 0 : i32
      %dma_wait3A_78 = tpu.memref_slice %arg16[%mul3A_69, %dma_wait3A_77] : memref<2048x64xf32, #tpu.memory_space<vmem_shared>> -> memref<128x64xf32, #tpu.memory_space<vmem_shared>>
      tpu.wait_dma2 semaphore(%run_scoped3A : memref<!tpu.dma_semaphore, #tpu.memory_space<semaphore_mem>>) src(%dma_wait3A_78 : memref<128x64xf32, #tpu.memory_space<vmem_shared>>) dst(%dma_wait3A_76 : memref<128x64xf32, #tpu.memory_space<hbm>>)
      tpu.yield
    }) : () -> ()
    return
  }
}

module attributes {stable_mosaic.version = 14 : i64} {
  func.func @body(%arg0: i32, %arg1: memref<512x64xf32, #tpu.memory_space<vmem>>, %arg2: memref<512x200xi32, #tpu.memory_space<vmem>>, %arg3: memref<64x256xf32, #tpu.memory_space<vmem>>, %arg4: memref<1x256xf32, #tpu.memory_space<vmem>>, %arg5: memref<256x256xf32, #tpu.memory_space<vmem>>, %arg6: memref<1x256xf32, #tpu.memory_space<vmem>>, %arg7: memref<256x128xf32, #tpu.memory_space<vmem>>, %arg8: memref<1x128xf32, #tpu.memory_space<vmem>>, %arg9: memref<512x128xf32, #tpu.memory_space<vmem>>) attributes {dimension_semantics = [#tpu.dimension_semantics<arbitrary>], iteration_bounds = array<i64: 8>, scalar_prefetch = 0 : i64, scratch_operands = 0 : i64, tpu.core_type = #tpu.core_type<tc>, window_params = [{transform_indices = @transform_0, window_bounds = array<i64: 512, 64>}, {transform_indices = @transform_1, window_bounds = array<i64: 512, 200>}, {pipeline_mode = #tpu.pipeline_mode<synchronous>, transform_indices = @transform_2, window_bounds = array<i64: 64, 256>}, {pipeline_mode = #tpu.pipeline_mode<synchronous>, transform_indices = @transform_3, window_bounds = array<i64: 1, 256>}, {pipeline_mode = #tpu.pipeline_mode<synchronous>, transform_indices = @transform_4, window_bounds = array<i64: 256, 256>}, {pipeline_mode = #tpu.pipeline_mode<synchronous>, transform_indices = @transform_5, window_bounds = array<i64: 1, 256>}, {pipeline_mode = #tpu.pipeline_mode<synchronous>, transform_indices = @transform_6, window_bounds = array<i64: 256, 128>}, {pipeline_mode = #tpu.pipeline_mode<synchronous>, transform_indices = @transform_7, window_bounds = array<i64: 1, 128>}, {transform_indices = @transform_8, window_bounds = array<i64: 512, 128>}]} {
    %get3A = arith.constant 0 : index
    %get3A_0 = arith.constant 0 : index
    %get3A_1 = vector.load %arg2[%get3A, %get3A_0] : memref<512x200xi32, #tpu.memory_space<vmem>>, vector<512x200xi32>
    %ne3A = arith.constant 0 : i32
    %ne3A_2 = vector.broadcast %ne3A : i32 to vector<512x200xi32>
    %ne3A_3 = arith.cmpi ne, %get3A_1, %ne3A_2 : vector<512x200xi32>
    %convert_element_type3A = arith.extui %ne3A_3 : vector<512x200xi1> to vector<512x200xi32>
    %convert_element_type3A_4 = arith.sitofp %convert_element_type3A : vector<512x200xi32> to vector<512x200xf32>
    %reduce_sum3A = arith.constant dense<0.000000e+00> : vector<512xf32>
    %reduce_sum3A_5 = vector.multi_reduction <add>, %convert_element_type3A_4, %reduce_sum3A [1] : vector<512x200xf32> to vector<512xf32>
    %broadcast_in_dim3A = vector.shape_cast %reduce_sum3A_5 : vector<512xf32> to vector<512x1xf32>
    %get3A_6 = arith.constant 0 : index
    %get3A_7 = arith.constant 0 : index
    %get3A_8 = vector.load %arg1[%get3A_6, %get3A_7] : memref<512x64xf32, #tpu.memory_space<vmem>>, vector<512x64xf32>
    %max3A = arith.constant 1.000000e+00 : f32
    %max3A_9 = vector.broadcast %max3A : f32 to vector<512x1xf32>
    %max3A_10 = arith.maximumf %broadcast_in_dim3A, %max3A_9 : vector<512x1xf32>
    %div3A = vector.broadcast %max3A_10 : vector<512x1xf32> to vector<512x64xf32>
    %div3A_11 = arith.divf %get3A_8, %div3A : vector<512x64xf32>
    %get3A_12 = arith.constant 0 : index
    %get3A_13 = arith.constant 0 : index
    %get3A_14 = vector.load %arg3[%get3A_12, %get3A_13] : memref<64x256xf32, #tpu.memory_space<vmem>>, vector<64x256xf32>
    %dot_general3A = arith.constant dense<0.000000e+00> : vector<512x256xf32>
    %dot_general3A_15 = tpu.matmul %div3A_11, %get3A_14, %dot_general3A {dimension_numbers = #tpu.dot_dimension_numbers<[1], [0], [0], [1], [0, 0, 1, 1], [], []>, precision = #tpu.contract_precision<fp32>, transpose_lhs_hint = false} : vector<512x64xf32>, vector<64x256xf32>, vector<512x256xf32> -> vector<512x256xf32>
    %get3A_16 = arith.constant 0 : index
    %get3A_17 = arith.constant 0 : index
    %get3A_18 = vector.load %arg4[%get3A_16, %get3A_17] : memref<1x256xf32, #tpu.memory_space<vmem>>, vector<1x256xf32>
    %add3A = vector.broadcast %get3A_18 : vector<1x256xf32> to vector<512x256xf32>
    %add3A_19 = arith.addf %dot_general3A_15, %add3A : vector<512x256xf32>
    %max3A_20 = arith.constant 0.000000e+00 : f32
    %max3A_21 = vector.broadcast %max3A_20 : f32 to vector<512x256xf32>
    %max3A_22 = arith.maximumf %add3A_19, %max3A_21 : vector<512x256xf32>
    %get3A_23 = arith.constant 0 : index
    %get3A_24 = arith.constant 0 : index
    %get3A_25 = vector.load %arg5[%get3A_23, %get3A_24] : memref<256x256xf32, #tpu.memory_space<vmem>>, vector<256x256xf32>
    %dot_general3A_26 = arith.constant dense<0.000000e+00> : vector<512x256xf32>
    %dot_general3A_27 = tpu.matmul %max3A_22, %get3A_25, %dot_general3A_26 {dimension_numbers = #tpu.dot_dimension_numbers<[1], [0], [0], [1], [0, 0, 1, 1], [], []>, precision = #tpu.contract_precision<fp32>, transpose_lhs_hint = false} : vector<512x256xf32>, vector<256x256xf32>, vector<512x256xf32> -> vector<512x256xf32>
    %get3A_28 = arith.constant 0 : index
    %get3A_29 = arith.constant 0 : index
    %get3A_30 = vector.load %arg6[%get3A_28, %get3A_29] : memref<1x256xf32, #tpu.memory_space<vmem>>, vector<1x256xf32>
    %add3A_31 = vector.broadcast %get3A_30 : vector<1x256xf32> to vector<512x256xf32>
    %add3A_32 = arith.addf %dot_general3A_27, %add3A_31 : vector<512x256xf32>
    %max3A_33 = arith.constant 0.000000e+00 : f32
    %max3A_34 = vector.broadcast %max3A_33 : f32 to vector<512x256xf32>
    %max3A_35 = arith.maximumf %add3A_32, %max3A_34 : vector<512x256xf32>
    %get3A_36 = arith.constant 0 : index
    %get3A_37 = arith.constant 0 : index
    %get3A_38 = vector.load %arg7[%get3A_36, %get3A_37] : memref<256x128xf32, #tpu.memory_space<vmem>>, vector<256x128xf32>
    %dot_general3A_39 = arith.constant dense<0.000000e+00> : vector<512x128xf32>
    %dot_general3A_40 = tpu.matmul %max3A_35, %get3A_38, %dot_general3A_39 {dimension_numbers = #tpu.dot_dimension_numbers<[1], [0], [0], [1], [0, 0, 1, 1], [], []>, precision = #tpu.contract_precision<fp32>, transpose_lhs_hint = false} : vector<512x256xf32>, vector<256x128xf32>, vector<512x128xf32> -> vector<512x128xf32>
    %get3A_41 = arith.constant 0 : index
    %get3A_42 = arith.constant 0 : index
    %get3A_43 = vector.load %arg8[%get3A_41, %get3A_42] : memref<1x128xf32, #tpu.memory_space<vmem>>, vector<1x128xf32>
    %add3A_44 = vector.broadcast %get3A_43 : vector<1x128xf32> to vector<512x128xf32>
    %add3A_45 = arith.addf %dot_general3A_40, %add3A_44 : vector<512x128xf32>
    %swap3A = arith.constant 0 : index
    %swap3A_46 = arith.constant 0 : index
    %swap3A_47 = vector.load %arg9[%swap3A, %swap3A_46] : memref<512x128xf32, #tpu.memory_space<vmem>>, vector<512x128xf32>
    tpu.vector_store %arg9[%swap3A, %swap3A_46], %add3A_45 {strides = array<i32>} : memref<512x128xf32, #tpu.memory_space<vmem>>, vector<512x128xf32>,
    return
  }
  func.func @transform_0(%arg0: i32) -> (i32, i32) {
    %c0_i32 = arith.constant 0 : i32
    %c0_i32_0 = arith.constant 0 : i32
    return %arg0, %c0_i32 : i32, i32
  }
  func.func @transform_1(%arg0: i32) -> (i32, i32) {
    %c0_i32 = arith.constant 0 : i32
    %c0_i32_0 = arith.constant 0 : i32
    return %arg0, %c0_i32 : i32, i32
  }
  func.func @transform_2(%arg0: i32) -> (i32, i32) {
    %c0_i32 = arith.constant 0 : i32
    %c0_i32_0 = arith.constant 0 : i32
    %c0_i32_1 = arith.constant 0 : i32
    return %c0_i32, %c0_i32_0 : i32, i32
  }
  func.func @transform_3(%arg0: i32) -> (i32, i32) {
    %c0_i32 = arith.constant 0 : i32
    %c0_i32_0 = arith.constant 0 : i32
    %c0_i32_1 = arith.constant 0 : i32
    return %c0_i32, %c0_i32_0 : i32, i32
  }
  func.func @transform_4(%arg0: i32) -> (i32, i32) {
    %c0_i32 = arith.constant 0 : i32
    %c0_i32_0 = arith.constant 0 : i32
    %c0_i32_1 = arith.constant 0 : i32
    return %c0_i32, %c0_i32_0 : i32, i32
  }
  func.func @transform_5(%arg0: i32) -> (i32, i32) {
    %c0_i32 = arith.constant 0 : i32
    %c0_i32_0 = arith.constant 0 : i32
    %c0_i32_1 = arith.constant 0 : i32
    return %c0_i32, %c0_i32_0 : i32, i32
  }
  func.func @transform_6(%arg0: i32) -> (i32, i32) {
    %c0_i32 = arith.constant 0 : i32
    %c0_i32_0 = arith.constant 0 : i32
    %c0_i32_1 = arith.constant 0 : i32
    return %c0_i32, %c0_i32_0 : i32, i32
  }
  func.func @transform_7(%arg0: i32) -> (i32, i32) {
    %c0_i32 = arith.constant 0 : i32
    %c0_i32_0 = arith.constant 0 : i32
    %c0_i32_1 = arith.constant 0 : i32
    return %c0_i32, %c0_i32_0 : i32, i32
  }
  func.func @transform_8(%arg0: i32) -> (i32, i32) {
    %c0_i32 = arith.constant 0 : i32
    %c0_i32_0 = arith.constant 0 : i32
    return %arg0, %c0_i32 : i32, i32
  }
}

</mosaic_0001>

<sc_bundles>
// kernel: kernel.4.cloned.1.call-start
scs
__scs_entry_jumppad:
0x0: {  	(pc) =	sbr.rel $0x88, $3  }
0x1: {  	(tag) =	ssettag $0x0;
	lr =	simm.s32 $0x1  }
0x2: {  	[smem:$0x3F99] =	sst lr;
	_ =	strace $0xD0000000  }
0x3: {  	_ = 	snop  }
0x4: {  	_ = 	snop  }
0x5: {  	_ = 	snop  }
0x6: {  	_ = 	snop  }
0x7: {  	_ = 	snop  }
__scs_overlays_trampoline_lowered:
0x8: {  	[smem:$0x3FA8] =	sst s0  }
0x9: {  	[smem:$0x3FA9] =	sst s1  }
0xa: {  	[smem:$0x3FAA] =	sst s2  }
0xb: {  	[smem:$0x3FAB] =	sst s3  }
0xc: {  	[smem:$0x3FAC] =	sst s4  }
0xd: {  	[smem:$0x3FAD] =	sst s5  }
0xe: {  	[smem:$0x3FAE] =	sst s6  }
0xf: {  	[smem:$0x3FAF] =	sst s7  }
0x10: {  	[smem:$0x3FB0] =	sst s8  }
0x11: {  	[smem:$0x3FB1] =	sst s9;
	s0 =	simm.s32 @!p0 $0x0  }
0x12: {  	s1 =	sld [smem:$0x3F97];
	s0 =	simm.s32 @p0 $0x1  }
0x13: {  	[smem:$0x3FB2] =	sst s0;
	s0 =	simm.s32 @!p1 $0x0  }
0x14: {  	s2 =	sld [smem:$0x3F96];
	s0 =	simm.s32 @p1 $0x1  }
0x15: {  	[smem:$0x3FB3] =	sst s0;
	s0 =	simm.s32 @!p2 $0x0  }
0x16: {  	s3 =	sld [smem:$0x3FDB];
	s0 =	simm.s32 @p2 $0x1  }
0x17: {  	s4 =	simm.s32 $0x1BF5;
	[smem:$0x3FB5] =	sst s0  }
0x18: {  	s0 =	sld [smem:$0x3F98];
	_ =	swait.ge [sflag:s4], $0x0  }
0x19: {  	s7 =	sld [smem:$0x3F99]  }
0x1a: {  	s8 =	sadd.s32 $0xFFFFE003, lr  }
0x1b: {  	s9 =	sadd.s32 $0xFFFFFEF7, lr;
	s5 =	simm.s32 $0xFFFFFFFF;
	p2 =	slt.u32 s8, $0xFFFFF086  }
0x1c: {  	p1 =	slt.u32 s9, $0xF7A;
	s5 =	simm.s32 @!p2 $0x0  }
0x1d: {  	s5 =	simm.s32 @p1 $0x1;
	p0 =	seq.s32 s7, s2  }
0x1e: {  	s7 =	smul.u32 @!p0 $0xF7A, s2;
	p2 =	seq.s32 @!p0 s5, $0x0  }
0x1f: {  	s9 =	smul.u32 $0xF7A, s1;
	s8 =	simm.s32 @!p0 $0x1BF5;
	p2 =	por !p2, p0  }
0x20: {  	[sflag:s8] =	ssyncset.s32 @!p0 $0xFFFFF086;
	s6 =	sadd.s32 @!p0 s3, s7;
	s7 =	simm.s32 @!p0 $0x108  }
0x21: {  	s3 =	sadd.s32 s3, s9;
	s6 =	sadd.s32 @!p0 $0x88, s6;
	s7 =	simm.s32 @p2 $0x1082  }
0x22: {  	[simem:s7], [sflag:s8] =	dma.local @!p0 [hbm:s6], $0xF7A  }
0x23: {  	s9 =	sor.u32 $0xD0000000, s2;
	s6 =	simm.s32 $0x108;
	_ =	swait.ge @!p0 [sflag:s8], $0x0  }
0x24: {  	s3 =	sadd.s32 $0x88, s3;
	s6 =	simm.s32 @!p1 $0x1082;
	[sflag:s4] =	ssyncset.s32 $0xFFFFF086  }
0x25: {  	[simem:s6], [sflag:s4] =	dma.local [hbm:s3], $0xF7A  }
0x26: {  	[smem:$0x3F99] =	sst s1;
	(tag) =	ssettag s2;
	_ =	strace s9  }
0x27: {  	s1 =	sld [smem:$0x3FA9]  }
0x28: {  	s2 =	sld [smem:$0x3FAA]  }
0x29: {  	s4 =	sld [smem:$0x3FAC]  }
0x2a: {  	p0 =	seq.s32 s5, $0x0;
	s5 =	sld [smem:$0x3FAD]  }
0x2b: {  	s6 =	sld [smem:$0x3FAE]  }
0x2c: {  	s7 =	sld [smem:$0x3FAF]  }
0x2d: {  	s3 =	simm.s32 $0x108;
	s8 =	sld [smem:$0x3FB0]  }
0x2e: {  	s3 =	simm.s32 @!p0 $0x1082;
	s9 =	sld [smem:$0x3FB1]  }
0x2f: {  	lr =	sadd.s32 s0, s3;
	s0 =	sld [smem:$0x3FA8]  }
0x30: {  	s3 =	sld [smem:$0x3FAB]  }
0x31: {  	[smem:$0x3FB4] =	sst s10  }
0x32: {  	s10 =	sld [smem:$0x3FB2];
	_ =	sdelay $0x3  }
0x33: {  	p0 =	seq.s32 s10, $0x1;
	s10 =	sld [smem:$0x3FB4];
	_ =	sdelay $0x3  }
0x34: {  	[smem:$0x3FB4] =	sst s10  }
0x35: {  	s10 =	sld [smem:$0x3FB3];
	_ =	sdelay $0x3  }
0x36: {  	p1 =	seq.s32 s10, $0x1;
	s10 =	sld [smem:$0x3FB4];
	_ =	sdelay $0x3  }
0x37: {  	[smem:$0x3FB4] =	sst s10  }
0x38: {  	s10 =	sld [smem:$0x3FB5]  }
0x39: {  	_ = 	snop;
	(pc) =	sbr.ind lr, $3  }
0x3a: {  	_ = 	snop  }
0x3b: {  	_ = 	snop  }
0x3c: {  	p2 =	seq.s32 s10, $0x1;
	s10 =	sld [smem:$0x3FB4]  }
0x3d: {  	_ =	shalt  }
0x3e: {  	_ =	shalt  }
0x3f: {  	_ =	shalt  }
0x40: {  	_ =	shalt  }
0x41: {  	_ =	shalt  }
0x42: {  	_ =	shalt  }
0x43: {  	_ =	shalt  }
0x44: {  	_ =	shalt  }
0x45: {  	_ =	shalt  }
0x46: {  	_ =	shalt  }
0x47: {  	_ =	shalt  }
0x48: {  	_ =	shalt  }
0x49: {  	_ =	shalt  }
0x4a: {  	_ =	shalt  }
0x4b: {  	_ =	shalt  }
0x4c: {  	_ =	shalt  }
0x4d: {  	_ =	shalt  }
0x4e: {  	_ =	shalt  }
0x4f: {  	_ =	shalt  }
0x50: {  	_ =	shalt  }
0x51: {  	_ =	shalt  }
0x52: {  	_ =	shalt  }
0x53: {  	_ =	shalt  }
0x54: {  	_ =	shalt  }
0x55: {  	_ =	shalt  }
0x56: {  	_ =	shalt  }
0x57: {  	_ =	shalt  }
0x58: {  	_ =	shalt  }
0x59: {  	_ =	shalt  }
0x5a: {  	_ =	shalt  }
0x5b: {  	_ =	shalt  }
0x5c: {  	_ =	shalt  }
0x5d: {  	_ =	shalt  }
0x5e: {  	_ =	shalt  }
0x5f: {  	_ =	shalt  }
0x60: {  	_ =	shalt  }
0x61: {  	_ =	shalt  }
0x62: {  	_ =	shalt  }
0x63: {  	_ =	shalt  }
0x64: {  	_ =	shalt  }
0x65: {  	_ =	shalt  }
0x66: {  	_ =	shalt  }
0x67: {  	_ =	shalt  }
0x68: {  	_ =	shalt  }
0x69: {  	_ =	shalt  }
0x6a: {  	_ =	shalt  }
0x6b: {  	_ =	shalt  }
0x6c: {  	_ =	shalt  }
0x6d: {  	_ =	shalt  }
0x6e: {  	_ =	shalt  }
0x6f: {  	_ =	shalt  }
0x70: {  	_ =	shalt  }
0x71: {  	_ =	shalt  }
0x72: {  	_ =	shalt  }
0x73: {  	_ =	shalt  }
0x74: {  	_ =	shalt  }
0x75: {  	_ =	shalt  }
0x76: {  	_ =	shalt  }
0x77: {  	_ =	shalt  }
0x78: {  	_ =	shalt  }
0x79: {  	_ =	shalt  }
0x7a: {  	_ =	shalt  }
0x7b: {  	_ =	shalt  }
0x7c: {  	_ =	shalt  }
0x7d: {  	_ =	shalt  }
0x7e: {  	_ =	shalt  }
0x7f: {  	_ =	shalt  }
0x80: {  	_ =	shalt  }
0x81: {  	_ =	shalt  }
0x82: {  	_ =	shalt  }
0x83: {  	_ =	shalt  }
0x84: {  	_ =	shalt  }
0x85: {  	_ =	shalt  }
0x86: {  	_ =	shalt  }
0x87: {  	_ =	shalt  }
.Lfunc_end0:
.L_simem_size_0:
called_computation_lowered:
.L_overlay_start_0:
0x88: {  	s2 =	sld [smem:$0x3FD9]  }
0x89: {  	s3 =	sld [smem:$0x3FFE];
	_ =	sdelay $0x1  }
0x8a: {  	s1 =	srdreg.scid  }
0x8b: {  	s0 =	sand.u32 $0x1, s1  }
0x8c: {  	s16 =	sshll.u32 s0, $0xA;
	s2 =	sadd.s32 s3, s2  }
0x8d: {  	s2 =	sadd.s32 s2, s16  }
0x8e: {  	[smem:$0x3FC0] =	sst s2  }
0x8f: {  	_ = 	snop  }
0x90: {  	(tm) =	ssettm $0x1  }
0x91: {  	s17 =	sld [smem:$0x3FFB];
	_ =	sdelay $0x3  }
0x92: {  	_ =	strace s17  }
0x93: {  	s2 =	sld [smem:$0x3FFC];
	_ =	sdelay $0x3  }
0x94: {  	_ =	strace s2  }
0x95: {  	s2 =	sld [smem:$0x3FFD];
	_ =	sdelay $0x3  }
0x96: {  	_ =	strace s2  }
0x97: {  	_ =	strace $0x8FFFFFFF  }
0x98: {  	s18 =	sld [smem:$0x3FDB];
	_ =	sdelay $0x1  }
0x99: {  	s19 =	simm.s32 $_scs_section_size  }
0x9a: {  	s4 =	simm.s32 $_size__tile_overlayer_lowered;
	s5 =	simm.s32 $_tile_overlayer_lowered  }
0x9b: {  	s22 =	simm.s32 $0x1BFF;
	s21 =	sshll.u32 s5, $0x1;
	s2 =	sadd.s32 s19, s18  }
0x9c: {  	s6 =	simm.s32 $0x0;
	s20 =	sshll.u32 s4, $0x1;
	s4 =	sadd.s32 s21, s2  }
0x9d: {  	[timem:s6], [sflag:s22] =	dma.local [hbm:s4], s20  }
0x9e: {  	_ =	swait.ge [sflag:s22], s20  }
0x9f: {  	s3 =	ssub.s32 $0x0, s20;
	[sflag:s22] =	ssyncset.done $0x0  }
0xa0: {  	[sflag:s22] =	ssyncadd.s32 s3;
	_ =	sdelay $0x1  }
0xa1: {  	s23 =	simm.s32 $0x1B8B  }
0xa2: {  	_ =	swait.ge [sflag:s23], $0x1  }
0xa3: {  	[sflag:s23] =	ssyncset.done $0x0  }
0xa4: {  	s25 =	simm.s32 $0x1B8E;
	s24 =	sld [smem:$0x3FFE];
	[sflag:s23] =	ssyncadd.s32 $0xFFFFFFFF  }
0xa5: {  	s26 =	simm.s32 $execute0_lowered;
	[smem:$0x3FD2] =	sst s25  }
0xa6: {  	s4 =	sshll.u32 s26, $0x1;
	_ =	strace $0x80000046;
	[dreg:$0x1] =	wrdreg $0xFFFFFFFF  }
0xa7: {  	s28 =	simm.s32 $_size_execute0_lowered;
	s2 =	sadd.s32 s2, s4;
	[dreg:$0x0] =	wrdreg $0x0  }
0xa8: {  	s4 =	sshll.u32 s28, $0x1;
	[dreg:$0x2] =	wrdreg s2  }
0xa9: {  	[dreg:$0x3] =	wrdreg s4  }
0xaa: {  	[dreg:$0x4] =	wrdreg $0xC0  }
0xab: {  	_ =	task [dreg:s6], $0x5FFFF  }
0xac: {  	[dreg:$0x1] =	wrdreg $0xFFFFFFFF  }
0xad: {  	[dreg:$0x0] =	wrdreg $0x60  }
0xae: {  	[dreg:$0x2] =	wrdreg s24  }
0xaf: {  	[dreg:$0x3] =	wrdreg $0x1C8000  }
0xb0: {  	[dreg:$0x4] =	wrdreg $0x9  }
0xb1: {  	_ =	task.clear_ibuf [dreg:s6], $0x5FFFF;
	_ =	strace $0x90000046  }
0xb2: {  	s29 =	simm.s32 $0x9;
	_ =	strace $0x80000048  }
0xb3: {  	_ =	swait.ge [sflag:s29], $0x1  }
0xb4: {  	[sflag:s29] =	ssyncadd.s32 $0xFFFFFFFF  }
0xb5: {  	_ =	strace $0x90000048  }
0xb6: {  	_ =	sfence  }
0xb7: {  	s30 =	sld [smem:$0x0];
	_ =	sdelay $0x2  }
0xb8: {  	s31 =	sshll.u32 s1, $0xD;
	s1 =	sshrl.u32 s1, $0x2  }
0xb9: {  	s3 =	sand.u32 $0x4000, s31;
	s1 =	sadd.s32 s1, s30  }
0xba: {  	s0 =	sor.u32 s3, s0;
	s1 =	sshll.u32 s1, $0x11  }
0xbb: {  	s0 =	sor.u32 s1, s0  }
0xbc: {  	s0 =	sadd.s32 $0x8F2B, s0  }
0xbd: {  	[sflag:s0] =	ssyncadd.remote.s32 $0x1  }
0xbe: {  	_ =	sfence.sel $0xFFFF  }
0xbf: {  	[dreg:$0x0] =	wrdreg $0xFFFFFFFF;
	(pc) =	sbr.abs _section_cstart, $3  }
0xc0: {  	[dreg:$0x1] =	wrdreg $0xFFFFFFFF  }
0xc1: {  	_ =	task.clear_ibuf [dreg:s6], $0x2FFFF;
	_ =	strace $0x9FFFFFFF  }
0xc2: {  	(tm) =	ssettm $0x7FFFFFFF  }
0xc3: {  	_ =	shalt  }
tec
execute0_lowered:
.L_overlay_start_1:
0x0: {  	(tag) =	ssettag $0x1  }
0x1: {  	s0 =	srdreg.scid;
	s1 =	rddreg [dreg:$0x0]  }
0x2: {  	s8 =	stileid.u32;
	s2 =	rddreg [dreg:$0x1];
	s5 =	simm.s32 $0x0  }
0x3: {  	s10 =	simm.s32 $0x11;
	s12 =	simm.s32 $0xC800;
	s13 =	simm.s32 $0x80  }
0x4: {  	s14 =	simm.s32 $0xE800;
	s16 =	simm.s32 $0x10800;
	s18 =	simm.s32 $0x12800  }
0x5: {  	s20 =	simm.s32 $0x14800;
	s22 =	simm.s32 $0x16800;
	s24 =	simm.s32 $0x18800  }
0x6: {  	s28 =	simm.s32 $0x1;
	s29 =	simm.s32 $0x2;
	s30 =	simm.s32 $0x3  }
0x7: {  	s31 =	simm.s32 $0x4;
	s11 =	simm.s32 $0x7;
	s15 =	simm.s32 $0x8  }
0x8: {  	s17 =	simm.s32 $0x9;
	s19 =	simm.s32 $0xA;
	s21 =	simm.s32 $0xB  }
0x9: {  	s23 =	simm.s32 $0xC;
	s0 =	sand.u32 $0x1, s0;
	s3 =	sshll.u32 s8, $0x1  }
0xa: {  	[smem:$0x7FF] =	sst s5;
	s25 =	smul.u32 $0xC80, s8;
	s26 =	sshll.u32 s8, $0xD  }
0xb: {  	s8 =	simm.s32 $0x0;
	s3 =	sor.u32 s0, s3;
	_ =	strace $0x80000047  }
0xc: {  	s0 =	ssub.s32 $0x2, s0;
	s4 =	smul.u32 $0xC80, s3;
	s5 =	sadd.s32 s25, s1  }
0xd: {  	s3 =	sshll.u32 s3, $0xA;
	s7 =	sshrl.u32 s0, $0x1;
	s25 =	simm.s32 $0xD  }
0xe: {  	s0 =	ssub.s32 s0, s7;
	s5 =	sadd.s32 $0x3A600, s5;
	s6 =	sadd.s32 s4, s1  }
0xf: {  	s4 =	sadd.s32 $0xF7CA00, s1;
	s1 =	sadd.s32 s3, s1;
	[dreg:$0x4] =	wrdreg s5  }
.Ltmp0:
0x10: {  	s3 =	sadd.s32 s26, s2;
	s0 =	smax.u32 s0, $0x1;
	(pc) =	sbr.rel .LBB2_1-.Ltmp0, $4  }
0x11: {  	s26 =	simm.s32 $0x1A800;
	s5 =	simm.s32 $0xF;
	[dreg:$0x5] =	wrdreg s3  }
0x12: {  	s6 =	sadd.s32 $0x21600, s6;
	s1 =	sadd.s32 $0x46E00, s1;
	[dreg:$0x7] =	wrdreg s0  }
0x13: {  	s0 =	simm.s32 $0x6;
	s3 =	simm.s32 $0xE;
	[dreg:$0x3] =	wrdreg s6  }
0x14: {  	v0 =	vimm.f32 $0.0e+00;
	[dreg:$0x6] =	wrdreg s1;
	s1 =	simm.s32 $0x5;
	s6 =	simm.s32 $0x10  }
.LBB2_6:
0x15: {  	_ =	swait.ge [sflag:s19], $0x2000  }
0x16: {  	[sflag:s19] =	ssyncset.done $0x0  }
0x17: {  	[sflag:s19] =	ssyncadd.s32 $0xFFFFE000  }
0x18: {  	_ =	swait.ge [sflag:s21], $0x2000  }
0x19: {  	[sflag:s21] =	ssyncset.done $0x0  }
0x1a: {  	[sflag:s21] =	ssyncadd.s32 $0xFFFFE000  }
0x1b: {  	_ =	swait.ge [sflag:s23], $0x2000  }
0x1c: {  	[sflag:s23] =	ssyncset.done $0x0  }
0x1d: {  	[sflag:s23] =	ssyncadd.s32 $0xFFFFE000  }
0x1e: {  	_ =	swait.ge [sflag:s25], $0x2000  }
0x1f: {  	[sflag:s25] =	ssyncset.done $0x0  }
0x20: {  	[sflag:s25] =	ssyncadd.s32 $0xFFFFE000  }
0x21: {  	_ =	swait.ge [sflag:s3], $0x2000  }
0x22: {  	[sflag:s3] =	ssyncset.done $0x0  }
0x23: {  	[sflag:s3] =	ssyncadd.s32 $0xFFFFE000  }
0x24: {  	_ =	swait.ge [sflag:s5], $0x2000  }
0x25: {  	[sflag:s5] =	ssyncset.done $0x0  }
0x26: {  	s7 =	stileid.u32;
	[sflag:s5] =	ssyncadd.s32 $0xFFFFE000  }
0x27: {  	s7 =	sshll.u32 s7, $0x6;
	_ =	swait.ge [sflag:s6], $0x2000  }
0x28: {  	s7 =	sor.u32 $0x1C11, s7;
	[sflag:s6] =	ssyncset.done $0x0;
	s9 =	rddreg [dreg:$0x5]  }
0x29: {  	s10 =	rddreg [dreg:$0x6];
	[sflag:s6] =	ssyncadd.s32 $0xFFFFE000;
	s9 =	sshrl.u32 s9, $0x3  }
0x2a: {  	[hbm:s10], [sflag:s7] =	dma.local [spmem:s9], $0x400  }
0x2b: {  	s10 =	simm.s32 $0x11  }
0x2c: {  	_ =	swait.ge [sflag:s10], $0x400  }
0x2d: {  	s8 =	sadd.s32 $0x1, s8;
	s9 =	rddreg [dreg:$0x7]  }
0x2e: {  	p0 =	sne.s32 s8, s9  }
.Ltmp1:
0x2f: {  	_ = 	snop;
	(pc) =	sbr.rel @!p0 .LBB2_7-.Ltmp1, $3  }
0x30: {  	_ =	sdelay $0x1  }
0x31: {  	[sflag:s10] =	ssyncset.done $0x0  }
0x32: {  	[sflag:s10] =	ssyncadd.s32 $0xFFFFFC00  }
.LBB2_1:
0x33: {  	[dreg:$0x8] =	wrdreg s8  }
0x34: {  	s7 =	simm.s32 $0x0;
	s9 =	rddreg [dreg:$0x3]  }
0x35: {  	[tilespmem:s7], [sflag:$0x11] =	stream.linear.gather [hbm4b:s9+s7], $0x6400, $0x38;
	[tilespmem:$0x1E800] =	vst v63  }
0x36: {  	_ =	swait.ge [sflag:s10], $0x6400  }
0x37: {  	[sflag:s10] =	ssyncset.done $0x0  }
0x38: {  	s8 =	simm.s32 $0x6400;
	s9 =	rddreg [dreg:$0x4];
	[sflag:s10] =	ssyncadd.s32 $0xFFFF9C00  }
0x39: {  	[tilespmem:s8], [sflag:$0x11] =	stream.linear.gather [hbm4b:s9+s7], $0x6400, $0x38;
	[tilespmem:$0x1E800] =	vst v63  }
0x3a: {  	_ =	swait.ge [sflag:s10], $0x6400  }
0x3b: {  	[sflag:s10] =	ssyncset.done $0x0  }
0x3c: {  	s9 =	simm.s32 $0x100;
	s7 =	simm.s32 $0x0;
	[sflag:s10] =	ssyncadd.s32 $0xFFFF9C00  }
.LBB2_2:
0x3d: {  	p0 =	sne.s32 s9, $0x7F00;
	[tilespmem:s7+$0xC830] =	vst v0;
	s10 =	smov.u32 s9;
	s9 =	sadd.s32 $0x100, s9  }
.Ltmp2:
0x3e: {  	[tilespmem:s7+$0xC820] =	vst v0;
	(pc) =	sbr.rel @p0 .LBB2_2-.Ltmp2, $3  }
0x3f: {  	[tilespmem:s7+$0xC800] =	vst v0  }
0x40: {  	[tilespmem:s7+$0xC810] =	vst v0;
	_ =	sdelay $0x1  }
0x41: {  	s7 =	sshra.s32 s10, $0x2  }
0x42: {  	[tilespmem:s7+$0xC830] =	vst v0  }
0x43: {  	[tilespmem:s7+$0xC820] =	vst v0  }
0x44: {  	[tilespmem:s7+$0xC800] =	vst v0  }
0x45: {  	[tilespmem:s7+$0xC810] =	vst v0;
	s9 =	rddreg [dreg:$0x5];
	s10 =	simm.s32 $0x11  }
0x46: {  	[spmem:s9] =	stream.linear.scatter [tilespmem:s12], [sflag:$0x11], $0x2000, $0x38;
	[tilespmem:$0x1E800] =	vst v63  }
0x47: {  	_ =	swait.ge [sflag:s10], $0x2000  }
0x48: {  	[sflag:s10] =	ssyncset.done $0x0  }
0x49: {  	s9 =	simm.s32 $0x0;
	[sflag:s10] =	ssyncadd.s32 $0xFFFFE000  }
0x4a: {  	[tilespmem:s12], [sflag:$0x1] =	stream.indirect.gather [hbm4b:s4+s13], $0x40, s9, s13, $0xb8;
	[tilespmem:$0x1E800] =	vst v63  }
0x4b: {  	_ = 	snop  }
0x4c: {  	[tilespmem:s14], [sflag:$0x2] =	stream.indirect.gather [hbm4b:s4+s13], $0x40, s13, s13, $0xb8;
	[tilespmem:$0x1E800] =	vst v63  }
0x4d: {  	s8 =	simm.s32 $0x100  }
0x4e: {  	[tilespmem:s16], [sflag:$0x3] =	stream.indirect.gather [hbm4b:s4+s13], $0x40, s8, s13, $0xb8;
	[tilespmem:$0x1E800] =	vst v63  }
0x4f: {  	s10 =	simm.s32 $0x180  }
0x50: {  	[tilespmem:s18], [sflag:$0x4] =	stream.indirect.gather [hbm4b:s4+s13], $0x40, s10, s13, $0xb8;
	[tilespmem:$0x1E800] =	vst v63  }
0x51: {  	s8 =	simm.s32 $0x200  }
0x52: {  	[tilespmem:s20], [sflag:$0x5] =	stream.indirect.gather [hbm4b:s4+s13], $0x40, s8, s13, $0xb8;
	[tilespmem:$0x1E800] =	vst v63  }
0x53: {  	s10 =	simm.s32 $0x280  }
0x54: {  	[tilespmem:s22], [sflag:$0x6] =	stream.indirect.gather [hbm4b:s4+s13], $0x40, s10, s13, $0xb8;
	[tilespmem:$0x1E800] =	vst v63  }
0x55: {  	s8 =	simm.s32 $0x300  }
0x56: {  	[tilespmem:s24], [sflag:$0x7] =	stream.indirect.gather [hbm4b:s4+s13], $0x40, s8, s13, $0xb8;
	[tilespmem:$0x1E800] =	vst v63  }
0x57: {  	s10 =	simm.s32 $0x380;
	s8 =	rddreg [dreg:$0x8]  }
0x58: {  	[tilespmem:s26], [sflag:$0x8] =	stream.indirect.gather [hbm4b:s4+s13], $0x40, s10, s13, $0xb8;
	[tilespmem:$0x1E800] =	vst v63  }
.LBB2_4:
0x59: {  	_ =	swait.ge [sflag:s28], $0x2000  }
0x5a: {  	s7 =	sshra.s32 s9, $0x2;
	[sflag:s28] =	ssyncset.done $0x0  }
0x5b: {  	s10 =	sadd.s32 $0x6400, s7;
	[sflag:s28] =	ssyncadd.s32 $0xFFFFE000  }
0x5c: {  	[spmem:s2] =	stream.indirect.scatter.add.f32 [tilespmem:s12], [sflag:$0x9], $0x40, s10, s13, $0xb8;
	[tilespmem:$0x1E800] =	vst v63  }
0x5d: {  	_ =	swait.ge [sflag:s29], $0x2000  }
0x5e: {  	[sflag:s29] =	ssyncset.done $0x0  }
0x5f: {  	s10 =	sadd.s32 $0x6480, s7;
	[sflag:s29] =	ssyncadd.s32 $0xFFFFE000  }
0x60: {  	[spmem:s2] =	stream.indirect.scatter.add.f32 [tilespmem:s14], [sflag:$0xA], $0x40, s10, s13, $0xb8;
	[tilespmem:$0x1E800] =	vst v63  }
0x61: {  	_ =	swait.ge [sflag:s30], $0x2000  }
0x62: {  	[sflag:s30] =	ssyncset.done $0x0  }
0x63: {  	s10 =	sadd.s32 $0x6500, s7;
	[sflag:s30] =	ssyncadd.s32 $0xFFFFE000  }
0x64: {  	[spmem:s2] =	stream.indirect.scatter.add.f32 [tilespmem:s16], [sflag:$0xB], $0x40, s10, s13, $0xb8;
	[tilespmem:$0x1E800] =	vst v63  }
0x65: {  	_ =	swait.ge [sflag:s31], $0x2000  }
0x66: {  	[sflag:s31] =	ssyncset.done $0x0  }
0x67: {  	s10 =	sadd.s32 $0x6580, s7;
	[sflag:s31] =	ssyncadd.s32 $0xFFFFE000  }
0x68: {  	[spmem:s2] =	stream.indirect.scatter.add.f32 [tilespmem:s18], [sflag:$0xC], $0x40, s10, s13, $0xb8;
	[tilespmem:$0x1E800] =	vst v63  }
0x69: {  	_ =	swait.ge [sflag:s1], $0x2000  }
0x6a: {  	[sflag:s1] =	ssyncset.done $0x0  }
0x6b: {  	s10 =	sadd.s32 $0x6600, s7;
	[sflag:s1] =	ssyncadd.s32 $0xFFFFE000  }
0x6c: {  	[spmem:s2] =	stream.indirect.scatter.add.f32 [tilespmem:s20], [sflag:$0xD], $0x40, s10, s13, $0xb8;
	[tilespmem:$0x1E800] =	vst v63  }
0x6d: {  	_ =	swait.ge [sflag:s0], $0x2000  }
0x6e: {  	[sflag:s0] =	ssyncset.done $0x0  }
0x6f: {  	s10 =	sadd.s32 $0x6680, s7;
	[sflag:s0] =	ssyncadd.s32 $0xFFFFE000  }
0x70: {  	[spmem:s2] =	stream.indirect.scatter.add.f32 [tilespmem:s22], [sflag:$0xE], $0x40, s10, s13, $0xb8;
	[tilespmem:$0x1E800] =	vst v63  }
0x71: {  	_ =	swait.ge [sflag:s11], $0x2000  }
0x72: {  	[sflag:s11] =	ssyncset.done $0x0  }
0x73: {  	s10 =	sadd.s32 $0x6700, s7;
	[sflag:s11] =	ssyncadd.s32 $0xFFFFE000  }
0x74: {  	[spmem:s2] =	stream.indirect.scatter.add.f32 [tilespmem:s24], [sflag:$0xF], $0x40, s10, s13, $0xb8;
	[tilespmem:$0x1E800] =	vst v63  }
0x75: {  	_ =	swait.ge [sflag:s15], $0x2000  }
0x76: {  	p0 =	seq.s32 s9, $0x18000;
	[sflag:s15] =	ssyncset.done $0x0  }
.Ltmp3:
0x77: {  	s10 =	sadd.s32 $0x6780, s7;
	[sflag:s15] =	ssyncadd.s32 $0xFFFFE000;
	(pc) =	sbr.rel @p0 .LBB2_6-.Ltmp3, $4  }
0x78: {  	[spmem:s2] =	stream.indirect.scatter.add.f32 [tilespmem:s26], [sflag:$0x10], $0x40, s10, s13, $0xb8;
	[tilespmem:$0x1E800] =	vst v63  }
0x79: {  	_ =	swait.ge [sflag:s17], $0x2000  }
0x7a: {  	[sflag:s17] =	ssyncset.done $0x0  }
0x7b: {  	[sflag:s17] =	ssyncadd.s32 $0xFFFFE000  }
0x7c: {  	s10 =	sadd.s32 $0x400, s7  }
0x7d: {  	[tilespmem:s12], [sflag:$0x1] =	stream.indirect.gather [hbm4b:s4+s13], $0x40, s10, s13, $0xb8;
	[tilespmem:$0x1E800] =	vst v63  }
0x7e: {  	_ =	swait.ge [sflag:s19], $0x2000  }
0x7f: {  	[sflag:s19] =	ssyncset.done $0x0  }
0x80: {  	s10 =	sadd.s32 $0x480, s7;
	[sflag:s19] =	ssyncadd.s32 $0xFFFFE000  }
0x81: {  	[tilespmem:s14], [sflag:$0x2] =	stream.indirect.gather [hbm4b:s4+s13], $0x40, s10, s13, $0xb8;
	[tilespmem:$0x1E800] =	vst v63  }
0x82: {  	_ =	swait.ge [sflag:s21], $0x2000  }
0x83: {  	[sflag:s21] =	ssyncset.done $0x0  }
0x84: {  	s10 =	sadd.s32 $0x500, s7;
	[sflag:s21] =	ssyncadd.s32 $0xFFFFE000  }
0x85: {  	[tilespmem:s16], [sflag:$0x3] =	stream.indirect.gather [hbm4b:s4+s13], $0x40, s10, s13, $0xb8;
	[tilespmem:$0x1E800] =	vst v63  }
0x86: {  	_ =	swait.ge [sflag:s23], $0x2000  }
0x87: {  	[sflag:s23] =	ssyncset.done $0x0  }
0x88: {  	s10 =	sadd.s32 $0x580, s7;
	[sflag:s23] =	ssyncadd.s32 $0xFFFFE000  }
0x89: {  	[tilespmem:s18], [sflag:$0x4] =	stream.indirect.gather [hbm4b:s4+s13], $0x40, s10, s13, $0xb8;
	[tilespmem:$0x1E800] =	vst v63  }
0x8a: {  	_ =	swait.ge [sflag:s25], $0x2000  }
0x8b: {  	[sflag:s25] =	ssyncset.done $0x0  }
0x8c: {  	s10 =	sadd.s32 $0x600, s7;
	[sflag:s25] =	ssyncadd.s32 $0xFFFFE000  }
0x8d: {  	[tilespmem:s20], [sflag:$0x5] =	stream.indirect.gather [hbm4b:s4+s13], $0x40, s10, s13, $0xb8;
	[tilespmem:$0x1E800] =	vst v63  }
0x8e: {  	_ =	swait.ge [sflag:s3], $0x2000  }
0x8f: {  	[sflag:s3] =	ssyncset.done $0x0  }
0x90: {  	s10 =	sadd.s32 $0x680, s7;
	[sflag:s3] =	ssyncadd.s32 $0xFFFFE000  }
0x91: {  	[tilespmem:s22], [sflag:$0x6] =	stream.indirect.gather [hbm4b:s4+s13], $0x40, s10, s13, $0xb8;
	[tilespmem:$0x1E800] =	vst v63  }
0x92: {  	_ =	swait.ge [sflag:s5], $0x2000  }
0x93: {  	[sflag:s5] =	ssyncset.done $0x0  }
0x94: {  	s10 =	sadd.s32 $0x700, s7;
	[sflag:s5] =	ssyncadd.s32 $0xFFFFE000  }
0x95: {  	[tilespmem:s24], [sflag:$0x7] =	stream.indirect.gather [hbm4b:s4+s13], $0x40, s10, s13, $0xb8;
	[tilespmem:$0x1E800] =	vst v63  }
.Ltmp4:
0x96: {  	_ = 	snop;
	(pc) =	sbr.rel .LBB2_4-.Ltmp4, $4  }
0x97: {  	_ =	swait.ge [sflag:s6], $0x2000  }
0x98: {  	[sflag:s6] =	ssyncset.done $0x0  }
0x99: {  	s9 =	sadd.s32 $0x1000, s9;
	s10 =	sadd.s32 $0x780, s7;
	[sflag:s6] =	ssyncadd.s32 $0xFFFFE000  }
0x9a: {  	[tilespmem:s26], [sflag:$0x8] =	stream.indirect.gather [hbm4b:s4+s13], $0x40, s10, s13, $0xb8;
	[tilespmem:$0x1E800] =	vst v63  }
.LBB2_7:
0x9b: {  	_ =	sfence.sel $0x180000  }
0x9c: {  	[bflag:$0x0] =	sbarrier.arrive $0xFFFF  }
0x9d: {  	_ =	strace $0x90000047  }
0x9e: {  	s0 =	stileid.u32;
	[bflag:$0x2] =	sbarrier.arrive $0xFFFF  }
0x9f: {  	p0 =	sne.s32 s0, $0x0;
	s0 =	rddreg [dreg:$0x2]  }
0xa0: {  	s0 =	sadd.s32 @!p0 $0x100000, s0  }
0xa1: {  	[sflag:s0] =	ssyncadd.tile.s32 @!p0 $0x1;
	_ =	shalt  }
.Lfunc_end2:
_tile_overlayer_lowered:
.L_overlay_start_2:
0xa2: {  	(tag) =	ssettag $0x2  }
0xa3: {  	s0 =	rddreg [dreg:$0x0];
	s2 =	stileid.u32  }
0xa4: {  	s1 =	rddreg [dreg:$0x1];
	p0 =	sne.s32 s2, $0x0  }
0xa5: {  	s3 =	rddreg [dreg:$0x2];
	[bflag:$0x3] =	sbarrier.arrive $0xFFFF;
	s2 =	simm.s32 @!p0 $0x1C11  }
0xa6: {  	[timem:s3], [sflag:s2] =	dma.local @!p0 [hbm:s0], s1  }
0xa7: {  	s0 =	simm.s32 @!p0 $0x11  }
0xa8: {  	_ =	swait.ge @!p0 [sflag:s0], s1  }
0xa9: {  	s1 =	ssub.s32 @!p0 $0x0, s1;
	[sflag:s0] =	ssyncset.done @!p0 $0x0  }
0xaa: {  	[sflag:s0] =	ssyncadd.s32 @!p0 s1  }
0xab: {  	[bflag:$0x3] =	sbarrier.arrive $0xFFFF  }
0xac: {  	_ =	shalt  }

</sc_bundles>
